<compile_context>
chip_gen: v7x
topology: tpu7x:2x2x1
jax: 0.10.2.dev20260603
libtpu: 0.0.44.dev20260713+nightly
codegen_flags: <defaults>
</compile_context>

<pallas_src>
import functools

import jax
import jax.numpy as jnp
from jax import lax
from jax.experimental import pallas as pl
from jax.experimental.pallas import tpu as pltpu
from jax.experimental.pallas import tpu_sc as plsc

N = 10000
E = 320000
D = 128
C = 40
EPS = 0.1
GAMMA = 0.1

NC = 2
NS = 16
NW = NC * NS
EPT = E // NW
KE = 80
NIT = EPT // KE
KS = 128
CH = E // KS
NRT = 10
RPT = N // NRT

_mesh = plsc.VectorSubcoreMesh(core_axis_name="c", subcore_axis_name="s")


@functools.partial(
    pl.kernel,
    out_type=jax.ShapeDtypeStruct((NC, N, D), jnp.float32),
    mesh=_mesh,
    scratch_types=[
        pltpu.VMEM((KE,), jnp.int32),
        pltpu.VMEM((KE, D), jnp.float32),
        pltpu.VMEM_SHARED((N, D), jnp.float32),
    ],
)
def _sc_deg(dst_hbm, ones_hbm, zeros_hbm, out_hbm, idx_v, ones_v, acc_sh):
    c = lax.axis_index("c")
    s = lax.axis_index("s")
    wid = c * NS + s

    @pl.when(s < NRT)
    def _init():
        pltpu.sync_copy(zeros_hbm, acc_sh.at[pl.ds(s * RPT, RPT)])

    pltpu.sync_copy(ones_hbm, ones_v)
    plsc.subcore_barrier()

    def body(g, _):
        base = wid * EPT + g * KE
        pltpu.sync_copy(dst_hbm.at[pl.ds(base, KE)], idx_v)
        pltpu.sync_copy(ones_v, acc_sh.at[idx_v], add=True)
        return _

    lax.fori_loop(0, NIT, body, 0)
    plsc.subcore_barrier()

    @pl.when(s < NRT)
    def _readback():
        pltpu.sync_copy(
            acc_sh.at[pl.ds(s * RPT, RPT)], out_hbm.at[c, pl.ds(s * RPT, RPT)]
        )


@functools.partial(
    pl.kernel,
    out_type=jax.ShapeDtypeStruct((NC, N, D), jnp.float32),
    mesh=_mesh,
    scratch_types=[
        pltpu.VMEM((2, KS), jnp.int32),
        pltpu.VMEM((2, KS), jnp.int32),
        pltpu.VMEM((2, KS, D), jnp.float32),
        pltpu.VMEM_SHARED((N, D), jnp.float32),
        pltpu.SemaphoreType.DMA,
        pltpu.SemaphoreType.DMA,
        pltpu.SemaphoreType.DMA,
        pltpu.SemaphoreType.DMA,
    ],
)
def _sc_scatter(hp_hbm, src_hbm, dst_hbm, zeros_hbm, out_hbm,
                sidx, didx, rows_v, acc_sh, sem_si, sem_di, sem_g, sem_s):
    c = lax.axis_index("c")
    s = lax.axis_index("s")
    wid = c * NS + s
    lo = wid * CH // NW
    hi = (wid + 1) * CH // NW

    def fire_sidx(g, b):
        pltpu.async_copy(src_hbm.at[pl.ds(g * KS, KS)], sidx.at[b], sem_si)

    def fire_didx(g, b):
        pltpu.async_copy(dst_hbm.at[pl.ds(g * KS, KS)], didx.at[b], sem_di)

    def drain_idx(b, sem):
        pltpu.make_async_copy(src_hbm.at[pl.ds(0, KS)], sidx.at[b], sem).wait()

    def drain_rows(b, sem):
        pltpu.make_async_copy(hp_hbm.at[pl.ds(0, KS)], rows_v.at[b], sem).wait()

    fire_sidx(lo, 0)
    fire_didx(lo, 0)

    @pl.when(s < NRT)
    def _init():
        pltpu.sync_copy(zeros_hbm, acc_sh.at[pl.ds(s * RPT, RPT)])

    drain_idx(0, sem_si)
    pltpu.async_copy(hp_hbm.at[sidx.at[0]], rows_v.at[0], sem_g)

    @pl.when(lo + 1 < hi)
    def _pre2():
        fire_sidx(lo + 1, 1)

    plsc.subcore_barrier()

    def body(g, carry):
        b = lax.rem(g - lo, 2)
        drain_rows(b, sem_g)

        @pl.when(g > lo)
        def _():
            drain_rows(1 - b, sem_s)

        drain_idx(b, sem_di)
        pltpu.async_copy(rows_v.at[b], acc_sh.at[didx.at[b]], sem_s, add=True)

        @pl.when(g + 1 < hi)
        def _():
            fire_didx(g + 1, 1 - b)
            drain_idx(1 - b, sem_si)
            pltpu.async_copy(hp_hbm.at[sidx.at[1 - b]], rows_v.at[1 - b], sem_g)

        @pl.when(g + 2 < hi)
        def _():
            fire_sidx(g + 2, b)

        return carry

    lax.fori_loop(lo, hi, body, 0)
    bl = lax.rem(hi - 1 - lo, 2)
    drain_rows(bl, sem_s)
    plsc.subcore_barrier()

    @pl.when(s < NRT)
    def _readback():
        pltpu.sync_copy(
            acc_sh.at[pl.ds(s * RPT, RPT)], out_hbm.at[c, pl.ds(s * RPT, RPT)]
        )


BN = 2000
GRID = N // BN

_HI = lax.Precision.HIGHEST


def _mm(a, b, ca, cb):
    return lax.dot_general(
        a, b, (((ca,), (cb,)), ((), ())),
        precision=_HI, preferred_element_type=jnp.float32)


def _t1_body(deg_ref, x_ref, w_ref, dinv_ref, hp_ref):
    deg = deg_ref[0, :, 0:1] + deg_ref[1, :, 0:1] + 1.0
    dinv = lax.rsqrt(jnp.maximum(deg, 1e-12))
    dinv_ref[...] = dinv
    hp_ref[...] = _mm(x_ref[...], w_ref[...], 1, 0) * dinv


_t1 = pl.pallas_call(
    _t1_body,
    grid=(GRID,),
    in_specs=[
        pl.BlockSpec((NC, BN, D), lambda i: (0, i, 0)),
        pl.BlockSpec((BN, D), lambda i: (i, 0)),
        pl.BlockSpec((D, D), lambda i: (0, 0)),
    ],
    out_specs=[
        pl.BlockSpec((BN, 1), lambda i: (i, 0)),
        pl.BlockSpec((BN, D), lambda i: (i, 0)),
    ],
    out_shape=[
        jax.ShapeDtypeStruct((N, 1), jnp.float32),
        jax.ShapeDtypeStruct((N, D), jnp.float32),
    ],
)


def _t2_body(x_ref, acc_ref, hp_ref, dinv_ref, w1_ref, b1_ref,
             l1w_ref, l1b_ref, gw2_ref, y_ref, h2p_ref):
    x = x_ref[...]
    dinv = dinv_ref[...]
    gcn = (acc_ref[0] + acc_ref[1] + hp_ref[...]) * dinv
    lin = _mm(x, w1_ref[...], 1, 1) - _mm(x, w1_ref[...], 1, 0) - GAMMA * x
    z = lin + gcn + b1_ref[...]
    x1 = jnp.maximum(x + EPS * jnp.tanh(z), 0.0)
    y = jnp.maximum(_mm(x1, l1w_ref[...], 1, 1) + l1b_ref[...], 0.0)
    y_ref[...] = y
    h2p_ref[...] = _mm(y, gw2_ref[...], 1, 0) * dinv


_t2 = pl.pallas_call(
    _t2_body,
    grid=(GRID,),
    in_specs=[
        pl.BlockSpec((BN, D), lambda i: (i, 0)),
        pl.BlockSpec((NC, BN, D), lambda i: (0, i, 0)),
        pl.BlockSpec((BN, D), lambda i: (i, 0)),
        pl.BlockSpec((BN, 1), lambda i: (i, 0)),
        pl.BlockSpec((D, D), lambda i: (0, 0)),
        pl.BlockSpec((1, D), lambda i: (0, 0)),
        pl.BlockSpec((D, D), lambda i: (0, 0)),
        pl.BlockSpec((1, D), lambda i: (0, 0)),
        pl.BlockSpec((D, D), lambda i: (0, 0)),
    ],
    out_specs=[
        pl.BlockSpec((BN, D), lambda i: (i, 0)),
        pl.BlockSpec((BN, D), lambda i: (i, 0)),
    ],
    out_shape=[
        jax.ShapeDtypeStruct((N, D), jnp.float32),
        jax.ShapeDtypeStruct((N, D), jnp.float32),
    ],
)


def _t3_body(y_ref, acc_ref, hp_ref, dinv_ref, w2_ref, b2_ref,
             l2w_ref, l2b_ref, res_ref, x2_ref):
    y = y_ref[...]
    dinv = dinv_ref[...]
    gcn = (acc_ref[0] + acc_ref[1] + hp_ref[...]) * dinv
    lin = _mm(y, w2_ref[...], 1, 1) - _mm(y, w2_ref[...], 1, 0) - GAMMA * y
    z = lin + gcn + b2_ref[...]
    x2 = jnp.maximum(y + EPS * jnp.tanh(z), 0.0)
    x2_ref[...] = x2
    logits = _mm(x2, l2w_ref[...], 1, 1) + l2b_ref[...]
    m = jnp.max(logits, axis=-1, keepdims=True)
    lse = m + jnp.log(jnp.sum(jnp.exp(logits - m), axis=-1, keepdims=True))
    res_ref[...] = logits - lse


_t3 = pl.pallas_call(
    _t3_body,
    grid=(GRID,),
    in_specs=[
        pl.BlockSpec((BN, D), lambda i: (i, 0)),
        pl.BlockSpec((NC, BN, D), lambda i: (0, i, 0)),
        pl.BlockSpec((BN, D), lambda i: (i, 0)),
        pl.BlockSpec((BN, 1), lambda i: (i, 0)),
        pl.BlockSpec((D, D), lambda i: (0, 0)),
        pl.BlockSpec((1, D), lambda i: (0, 0)),
        pl.BlockSpec((C, D), lambda i: (0, 0)),
        pl.BlockSpec((1, C), lambda i: (0, 0)),
    ],
    out_specs=[
        pl.BlockSpec((BN, C), lambda i: (i, 0)),
        pl.BlockSpec((BN, D), lambda i: (i, 0)),
    ],
    out_shape=[
        jax.ShapeDtypeStruct((N, C), jnp.float32),
        jax.ShapeDtypeStruct((N, D), jnp.float32),
    ],
)


def kernel(x, edge_index, W1, b1, gcn_W1, l1_w, l1_b, W2, b2, gcn_W2,
           l2_w, l2_b):
    src = edge_index[0]
    dst = edge_index[1]
    zeros_rows = jnp.zeros((RPT, D), jnp.float32)
    ones_rows = jnp.ones((KE, D), jnp.float32)

    deg_parts = _sc_deg(dst, ones_rows, zeros_rows)
    dinv, h1p = _t1(deg_parts, x, gcn_W1)
    acc1 = _sc_scatter(h1p, src, dst, zeros_rows)
    y, h2p = _t2(x, acc1, h1p, dinv, W1, b1.reshape(1, D),
                 l1_w, l1_b.reshape(1, D), gcn_W2)
    acc2 = _sc_scatter(h2p, src, dst, zeros_rows)
    res, x2 = _t3(y, acc2, h2p, dinv, W2, b2.reshape(1, D),
                  l2_w, l2_b.reshape(1, C))
    return (res, x2)

# --- scband reference (transcript-rebuilt; emitter-appended) ---
"""Pipeline reference for scband-anti-symmetric-43654047596706 (READ-ONLY COPY).

The authoritative reference and input builder live on the scoring server;
editing this copy changes nothing except your own understanding.
"""

import jax, jax.numpy as jnp
import numpy as np

N = 10000
E = 320000
D = 128
H = 128
C = 40
EPS = 0.1
GAMMA = 0.1


def setup_inputs(seed: int = 0) -> dict:
    key = jax.random.key(seed)
    ks = jax.random.split(key, 12)
    inp = {}
    inp["x"] = jax.random.normal(ks[0], (N, D), dtype=jnp.float32)
    inp["edge_index"] = jax.random.randint(ks[1], (2, E), 0, N, dtype=jnp.int32)
    s = 1.0 / np.sqrt(D)
    inp["W1"] = jax.random.normal(ks[2], (D, D), dtype=jnp.float32) * s
    inp["b1"] = jnp.zeros((D,), dtype=jnp.float32)
    inp["gcn_W1"] = jax.random.normal(ks[3], (D, D), dtype=jnp.float32) * s
    inp["l1_w"] = jax.random.normal(ks[4], (H, D), dtype=jnp.float32) * s
    inp["l1_b"] = jnp.zeros((H,), dtype=jnp.float32)
    sh = 1.0 / np.sqrt(H)
    inp["W2"] = jax.random.normal(ks[5], (H, H), dtype=jnp.float32) * sh
    inp["b2"] = jnp.zeros((H,), dtype=jnp.float32)
    inp["gcn_W2"] = jax.random.normal(ks[6], (H, H), dtype=jnp.float32) * sh
    inp["l2_w"] = jax.random.normal(ks[7], (C, H), dtype=jnp.float32) * sh
    inp["l2_b"] = jnp.zeros((C,), dtype=jnp.float32)
    return inp


def _gcn(x, edge_index, W):
    # GCNConv without bias: D^{-1/2}(A+I)D^{-1/2} X W
    n = x.shape[0]
    loop = jnp.arange(n, dtype=edge_index.dtype)
    src = jnp.concatenate([edge_index[0], loop])
    dst = jnp.concatenate([edge_index[1], loop])
    deg = jnp.zeros((n,), dtype=x.dtype).at[dst].add(1.0)
    dinv = jax.lax.rsqrt(jnp.maximum(deg, 1e-12))
    norm = dinv[src] * dinv[dst]
    h = x @ W
    msg = h[src] * norm[:, None]
    return jnp.zeros_like(h).at[dst].add(msg)


def _asym_conv(x, edge_index, W, bias, gcn_W):
    # AntiSymmetricConv: num_iters=1, epsilon=0.1, gamma=0.1, act=tanh
    aW = W - W.T - GAMMA * jnp.eye(W.shape[0], dtype=W.dtype)
    h = _gcn(x, edge_index, gcn_W)
    h = x @ aW.T + h + bias
    h = jnp.tanh(h)
    return x + EPS * h


def reference(x, edge_index, W1, b1, gcn_W1, l1_w, l1_b, W2, b2, gcn_W2, l2_w, l2_b):
    # eval mode: dropout is identity
    x = _asym_conv(x, edge_index, W1, b1, gcn_W1)
    x = jax.nn.relu(x)
    x = x @ l1_w.T + l1_b
    x = jax.nn.relu(x)
    x = _asym_conv(x, edge_index, W2, b2, gcn_W2)
    x = jax.nn.relu(x)
    x1 = x
    x = x @ l2_w.T + l2_b
    result = jax.nn.log_softmax(x, axis=-1)
    return (result, x1)

if __name__ == "__main__":
    import jax
    _d = setup_inputs()
    print(jax.jit(kernel)(*tuple(_d.values())))

</pallas_src>

<mosaic_0001>
#map = affine_map<(d0, d1) -> (0, 0)>
#map1 = affine_map<(d0, d1) -> (0)>
#map2 = affine_map<(d0, d1) -> (0, 0, 0)>
module attributes {stable_mosaic.version = 14 : i64} {
  func.func @_sc_scatter(%arg0: i32, %arg1: i32, %arg2: memref<10000x128xf32, #tpu.memory_space<hbm>>, %arg3: memref<320000xi32, #tpu.memory_space<hbm>>, %arg4: memref<320000xi32, #tpu.memory_space<hbm>>, %arg5: memref<1000x128xf32, #tpu.memory_space<hbm>>, %arg6: memref<2x10000x128xf32, #tpu.memory_space<hbm>>, %arg7: memref<2x128xi32, #tpu.memory_space<vmem>>, %arg8: memref<2x128xi32, #tpu.memory_space<vmem>>, %arg9: memref<2x128x128xf32, #tpu.memory_space<vmem>>, %arg10: memref<10000x128xf32, #tpu.memory_space<vmem_shared>>, %arg11: memref<!tpu.dma_semaphore, #tpu.memory_space<semaphore_mem>>, %arg12: memref<!tpu.dma_semaphore, #tpu.memory_space<semaphore_mem>>, %arg13: memref<!tpu.dma_semaphore, #tpu.memory_space<semaphore_mem>>, %arg14: memref<!tpu.dma_semaphore, #tpu.memory_space<semaphore_mem>>) attributes {dimension_semantics = [#tpu.dimension_semantics<core_parallel>, #tpu.dimension_semantics<subcore_parallel>], iteration_bounds = array<i64: 2, 16>, scalar_prefetch = 0 : i64, scratch_operands = 8 : i64, tpu.core_type = #tpu.core_type<sc_vector_subcore>, window_params = [{transform_indices = #map}, {transform_indices = #map1}, {transform_indices = #map1}, {transform_indices = #map}, {transform_indices = #map2}]} {
    %mul3A = arith.constant 16 : i32
    %mul3A_0 = arith.muli %arg0, %mul3A : i32
    %add3A = arith.addi %mul3A_0, %arg1 : i32
    %mul3A_1 = arith.constant 2500 : i32
    %mul3A_2 = arith.muli %add3A, %mul3A_1 : i32
    %jit3A = arith.constant 32 : i32
    %div3A = arith.divsi %mul3A_2, %jit3A : i32
    %sign3A = arith.constant 0 : i32
    %sign3A_3 = arith.cmpi sgt, %mul3A_2, %sign3A : i32
    %sign3A_4 = arith.extui %sign3A_3 : i1 to i32
    %sign3A_5 = arith.constant 0 : i32
    %sign3A_6 = arith.cmpi slt, %mul3A_2, %sign3A_5 : i32
    %sign3A_7 = arith.extui %sign3A_6 : i1 to i32
    %sign3A_8 = arith.subi %sign3A_4, %sign3A_7 : i32
    %sign3A_9 = arith.constant 0 : i32
    %sign3A_10 = arith.cmpi sgt, %jit3A, %sign3A_9 : i32
    %sign3A_11 = arith.extui %sign3A_10 : i1 to i32
    %sign3A_12 = arith.constant 0 : i32
    %sign3A_13 = arith.cmpi slt, %jit3A, %sign3A_12 : i32
    %sign3A_14 = arith.extui %sign3A_13 : i1 to i32
    %sign3A_15 = arith.subi %sign3A_11, %sign3A_14 : i32
    %ne3A = arith.cmpi ne, %sign3A_8, %sign3A_15 : i32
    %rem3A = arith.remsi %mul3A_2, %jit3A : i32
    %ne3A_16 = arith.constant 0 : i32
    %ne3A_17 = arith.cmpi ne, %rem3A, %ne3A_16 : i32
    %and3A = arith.andi %ne3A, %ne3A_17 : i1
    %sub3A = arith.constant 1 : i32
    %sub3A_18 = arith.subi %div3A, %sub3A : i32
    %select_n3A = arith.select %and3A, %sub3A_18, %div3A : i32
    %add3A_19 = arith.constant 1 : i32
    %add3A_20 = arith.addi %add3A, %add3A_19 : i32
    %mul3A_21 = arith.constant 2500 : i32
    %mul3A_22 = arith.muli %add3A_20, %mul3A_21 : i32
    %jit3A_23 = arith.constant 32 : i32
    %div3A_24 = arith.divsi %mul3A_22, %jit3A_23 : i32
    %sign3A_25 = arith.constant 0 : i32
    %sign3A_26 = arith.cmpi sgt, %mul3A_22, %sign3A_25 : i32
    %sign3A_27 = arith.extui %sign3A_26 : i1 to i32
    %sign3A_28 = arith.constant 0 : i32
    %sign3A_29 = arith.cmpi slt, %mul3A_22, %sign3A_28 : i32
    %sign3A_30 = arith.extui %sign3A_29 : i1 to i32
    %sign3A_31 = arith.subi %sign3A_27, %sign3A_30 : i32
    %sign3A_32 = arith.constant 0 : i32
    %sign3A_33 = arith.cmpi sgt, %jit3A_23, %sign3A_32 : i32
    %sign3A_34 = arith.extui %sign3A_33 : i1 to i32
    %sign3A_35 = arith.constant 0 : i32
    %sign3A_36 = arith.cmpi slt, %jit3A_23, %sign3A_35 : i32
    %sign3A_37 = arith.extui %sign3A_36 : i1 to i32
    %sign3A_38 = arith.subi %sign3A_34, %sign3A_37 : i32
    %ne3A_39 = arith.cmpi ne, %sign3A_31, %sign3A_38 : i32
    %rem3A_40 = arith.remsi %mul3A_22, %jit3A_23 : i32
    %ne3A_41 = arith.constant 0 : i32
    %ne3A_42 = arith.cmpi ne, %rem3A_40, %ne3A_41 : i32
    %and3A_43 = arith.andi %ne3A_39, %ne3A_42 : i1
    %sub3A_44 = arith.constant 1 : i32
    %sub3A_45 = arith.subi %div3A_24, %sub3A_44 : i32
    %select_n3A_46 = arith.select %and3A_43, %sub3A_45, %div3A_24 : i32
    %mul3A_47 = arith.constant 128 : i32
    %mul3A_48 = arith.muli %select_n3A, %mul3A_47 : i32
    %dma_start3A = arith.constant 0 : i32
    %dma_start3A_49 = arith.constant 0 : i32
    %dma_start3A_50 = tpu.memref_slice %arg7[%dma_start3A, %dma_start3A_49] : memref<2x128xi32, #tpu.memory_space<vmem>> -> memref<1x128xi32, #tpu.memory_space<vmem>>
    %dma_start3A_51 = tpu.memref_squeeze %dma_start3A_50 : memref<1x128xi32, #tpu.memory_space<vmem>> -> memref<128xi32, #tpu.memory_space<vmem>>
    %dma_start3A_52 = tpu.memref_slice %arg3[%mul3A_48] : memref<320000xi32, #tpu.memory_space<hbm>> -> memref<128xi32, #tpu.memory_space<hbm>>
    %dma_start3A_53 = arith.constant 0 : i32
    %dma_start3A_54 = tpu.memref_slice %arg7[%dma_start3A, %dma_start3A_53] : memref<2x128xi32, #tpu.memory_space<vmem>> -> memref<1x128xi32, #tpu.memory_space<vmem>>
    %dma_start3A_55 = tpu.memref_squeeze %dma_start3A_54 : memref<1x128xi32, #tpu.memory_space<vmem>> -> memref<128xi32, #tpu.memory_space<vmem>>
    %dma_start3A_56 = tpu.memref_slice %arg3[%mul3A_48] : memref<320000xi32, #tpu.memory_space<hbm>> -> memref<128xi32, #tpu.memory_space<hbm>>
    tpu.enqueue_dma source(%dma_start3A_56 : memref<128xi32, #tpu.memory_space<hbm>>) target(%dma_start3A_55 : memref<128xi32, #tpu.memory_space<vmem>>) target_semaphore(%arg11 : memref<!tpu.dma_semaphore, #tpu.memory_space<semaphore_mem>>)
    %mul3A_57 = arith.constant 128 : i32
    %mul3A_58 = arith.muli %select_n3A, %mul3A_57 : i32
    %dma_start3A_59 = arith.constant 0 : i32
    %dma_start3A_60 = arith.constant 0 : i32
    %dma_start3A_61 = tpu.memref_slice %arg8[%dma_start3A_59, %dma_start3A_60] : memref<2x128xi32, #tpu.memory_space<vmem>> -> memref<1x128xi32, #tpu.memory_space<vmem>>
    %dma_start3A_62 = tpu.memref_squeeze %dma_start3A_61 : memref<1x128xi32, #tpu.memory_space<vmem>> -> memref<128xi32, #tpu.memory_space<vmem>>
    %dma_start3A_63 = tpu.memref_slice %arg4[%mul3A_58] : memref<320000xi32, #tpu.memory_space<hbm>> -> memref<128xi32, #tpu.memory_space<hbm>>
    %dma_start3A_64 = arith.constant 0 : i32
    %dma_start3A_65 = tpu.memref_slice %arg8[%dma_start3A_59, %dma_start3A_64] : memref<2x128xi32, #tpu.memory_space<vmem>> -> memref<1x128xi32, #tpu.memory_space<vmem>>
    %dma_start3A_66 = tpu.memref_squeeze %dma_start3A_65 : memref<1x128xi32, #tpu.memory_space<vmem>> -> memref<128xi32, #tpu.memory_space<vmem>>
    %dma_start3A_67 = tpu.memref_slice %arg4[%mul3A_58] : memref<320000xi32, #tpu.memory_space<hbm>> -> memref<128xi32, #tpu.memory_space<hbm>>
    tpu.enqueue_dma source(%dma_start3A_67 : memref<128xi32, #tpu.memory_space<hbm>>) target(%dma_start3A_66 : memref<128xi32, #tpu.memory_space<vmem>>) target_semaphore(%arg12 : memref<!tpu.dma_semaphore, #tpu.memory_space<semaphore_mem>>)
    %lt3A = arith.constant 10 : i32
    %lt3A_68 = arith.cmpi slt, %arg1, %lt3A : i32
    %convert_element_type3A = arith.extui %lt3A_68 : i1 to i32
    %cond3A = arith.constant 0 : i32
    %cond3A_69 = arith.cmpi ne, %convert_element_type3A, %cond3A : i32
    scf.if %cond3A_69 {
      %mul3A_131 = arith.constant 1000 : i32
      %mul3A_132 = arith.muli %arg1, %mul3A_131 : i32
      "tpu.region"() ({
        %run_scoped3A = tpu.sem_alloc : memref<!tpu.dma_semaphore, #tpu.memory_space<semaphore_mem>>
        %dma_start3A_133 = arith.constant 0 : i32
        %dma_start3A_134 = tpu.memref_slice %arg10[%mul3A_132, %dma_start3A_133] : memref<10000x128xf32, #tpu.memory_space<vmem_shared>> -> memref<1000x128xf32, #tpu.memory_space<vmem_shared>>
        tpu.enqueue_dma source(%arg5 : memref<1000x128xf32, #tpu.memory_space<hbm>>) target(%dma_start3A_134 : memref<1000x128xf32, #tpu.memory_space<vmem_shared>>) target_semaphore(%run_scoped3A : memref<!tpu.dma_semaphore, #tpu.memory_space<semaphore_mem>>)
        %dma_wait3A_135 = arith.constant 0 : i32
        %dma_wait3A_136 = tpu.memref_slice %arg10[%mul3A_132, %dma_wait3A_135] : memref<10000x128xf32, #tpu.memory_space<vmem_shared>> -> memref<1000x128xf32, #tpu.memory_space<vmem_shared>>
        tpu.wait_dma2 semaphore(%run_scoped3A : memref<!tpu.dma_semaphore, #tpu.memory_space<semaphore_mem>>) src(%arg5 : memref<1000x128xf32, #tpu.memory_space<hbm>>) dst(%dma_wait3A_136 : memref<1000x128xf32, #tpu.memory_space<vmem_shared>>)
        tpu.yield
      }) : () -> ()
    } else {
    }
    %dma_wait3A = arith.constant 0 : i32
    %dma_wait3A_70 = arith.constant 0 : i32
    %dma_wait3A_71 = tpu.memref_slice %arg7[%dma_wait3A, %dma_wait3A_70] : memref<2x128xi32, #tpu.memory_space<vmem>> -> memref<1x128xi32, #tpu.memory_space<vmem>>
    %dma_wait3A_72 = tpu.memref_squeeze %dma_wait3A_71 : memref<1x128xi32, #tpu.memory_space<vmem>> -> memref<128xi32, #tpu.memory_space<vmem>>
    %dma_wait3A_73 = arith.constant 0 : i32
    %dma_wait3A_74 = tpu.memref_slice %arg3[%dma_wait3A_73] : memref<320000xi32, #tpu.memory_space<hbm>> -> memref<128xi32, #tpu.memory_space<hbm>>
    %dma_wait3A_75 = arith.constant 0 : i32
    %dma_wait3A_76 = tpu.memref_slice %arg7[%dma_wait3A, %dma_wait3A_75] : memref<2x128xi32, #tpu.memory_space<vmem>> -> memref<1x128xi32, #tpu.memory_space<vmem>>
    %dma_wait3A_77 = tpu.memref_squeeze %dma_wait3A_76 : memref<1x128xi32, #tpu.memory_space<vmem>> -> memref<128xi32, #tpu.memory_space<vmem>>
    %dma_wait3A_78 = arith.constant 0 : i32
    %dma_wait3A_79 = tpu.memref_slice %arg3[%dma_wait3A_78] : memref<320000xi32, #tpu.memory_space<hbm>> -> memref<128xi32, #tpu.memory_space<hbm>>
    tpu.wait_dma2 semaphore(%arg11 : memref<!tpu.dma_semaphore, #tpu.memory_space<semaphore_mem>>) src(%dma_wait3A_79 : memref<128xi32, #tpu.memory_space<hbm>>) dst(%dma_wait3A_77 : memref<128xi32, #tpu.memory_space<vmem>>)
    %dma_start3A_80 = arith.constant 0 : i32
    %dma_start3A_81 = arith.constant 0 : i32
    %dma_start3A_82 = arith.constant 0 : i32
    %dma_start3A_83 = arith.constant 0 : i32
    %dma_start3A_84 = tpu.memref_slice %arg9[%dma_start3A_81, %dma_start3A_82, %dma_start3A_83] : memref<2x128x128xf32, #tpu.memory_space<vmem>> -> memref<1x128x128xf32, #tpu.memory_space<vmem>>
    %dma_start3A_85 = tpu.memref_squeeze %dma_start3A_84 : memref<1x128x128xf32, #tpu.memory_space<vmem>> -> memref<128x128xf32, #tpu.memory_space<vmem>>
    %dma_start3A_86 = arith.constant 0 : i32
    %dma_start3A_87 = tpu.memref_slice %arg7[%dma_start3A_80, %dma_start3A_86] : memref<2x128xi32, #tpu.memory_space<vmem>> -> memref<1x128xi32, #tpu.memory_space<vmem>>
    %dma_start3A_88 = tpu.memref_squeeze %dma_start3A_87 : memref<1x128xi32, #tpu.memory_space<vmem>> -> memref<128xi32, #tpu.memory_space<vmem>>
    %dma_start3A_89 = arith.constant 0 : i32
    %dma_start3A_90 = arith.constant 0 : i32
    %dma_start3A_91 = tpu.memref_slice %arg2[%dma_start3A_89, %dma_start3A_90] : memref<10000x128xf32, #tpu.memory_space<hbm>> -> memref<10000x128xf32, #tpu.memory_space<hbm>>
    tpu.enqueue_indirect_dma source(%dma_start3A_91 : memref<10000x128xf32, #tpu.memory_space<hbm>>) target(%dma_start3A_85 : memref<128x128xf32, #tpu.memory_space<vmem>>) offsets(%dma_start3A_88 : memref<128xi32, #tpu.memory_space<vmem>>) semaphore(%arg13 : memref<!tpu.dma_semaphore, #tpu.memory_space<semaphore_mem>>)
    %add3A_92 = arith.constant 1 : i32
    %add3A_93 = arith.addi %select_n3A, %add3A_92 : i32
    %lt3A_94 = arith.cmpi slt, %add3A_93, %select_n3A_46 : i32
    %convert_element_type3A_95 = arith.extui %lt3A_94 : i1 to i32
    %cond3A_96 = arith.constant 0 : i32
    %cond3A_97 = arith.cmpi ne, %convert_element_type3A_95, %cond3A_96 : i32
    scf.if %cond3A_97 {
      %add3A_131 = arith.constant 1 : i32
      %add3A_132 = arith.addi %select_n3A, %add3A_131 : i32
      %mul3A_133 = arith.constant 128 : i32
      %mul3A_134 = arith.muli %add3A_132, %mul3A_133 : i32
      %dma_start3A_135 = arith.constant 1 : i32
      %dma_start3A_136 = arith.constant 0 : i32
      %dma_start3A_137 = tpu.memref_slice %arg7[%dma_start3A_135, %dma_start3A_136] : memref<2x128xi32, #tpu.memory_space<vmem>> -> memref<1x128xi32, #tpu.memory_space<vmem>>
      %dma_start3A_138 = tpu.memref_squeeze %dma_start3A_137 : memref<1x128xi32, #tpu.memory_space<vmem>> -> memref<128xi32, #tpu.memory_space<vmem>>
      %dma_start3A_139 = tpu.memref_slice %arg3[%mul3A_134] : memref<320000xi32, #tpu.memory_space<hbm>> -> memref<128xi32, #tpu.memory_space<hbm>>
      %dma_start3A_140 = arith.constant 0 : i32
      %dma_start3A_141 = tpu.memref_slice %arg7[%dma_start3A_135, %dma_start3A_140] : memref<2x128xi32, #tpu.memory_space<vmem>> -> memref<1x128xi32, #tpu.memory_space<vmem>>
      %dma_start3A_142 = tpu.memref_squeeze %dma_start3A_141 : memref<1x128xi32, #tpu.memory_space<vmem>> -> memref<128xi32, #tpu.memory_space<vmem>>
      %dma_start3A_143 = tpu.memref_slice %arg3[%mul3A_134] : memref<320000xi32, #tpu.memory_space<hbm>> -> memref<128xi32, #tpu.memory_space<hbm>>
      tpu.enqueue_dma source(%dma_start3A_143 : memref<128xi32, #tpu.memory_space<hbm>>) target(%dma_start3A_142 : memref<128xi32, #tpu.memory_space<vmem>>) target_semaphore(%arg11 : memref<!tpu.dma_semaphore, #tpu.memory_space<semaphore_mem>>)
    } else {
    }
    %barrier3A = arith.constant 0 : index
    tpu.barrier barrier_id(%barrier3A)
    %while3A = arith.constant 0 : i32
    %while3A_98 = arith.subi %select_n3A_46, %select_n3A : i32
    %while3A_99 = arith.addi %select_n3A, %while3A_98 : i32
    %while3A_100 = arith.constant 1 : i32
    %while3A_101 = arith.divsi %while3A_98, %while3A_100 : i32
    %while3A_102 = arith.muli %while3A_101, %while3A_100 : i32
    %while3A_103 = arith.addi %select_n3A, %while3A_102 : i32
    %while3A_104 = arith.constant 1 : i32
    scf.for %while3A_131 = %select_n3A to %while3A_103 step %while3A_104  : i32 {
      %sub3A_132 = arith.subi %while3A_131, %select_n3A : i32
      %rem3A_133 = arith.constant 2 : i32
      %rem3A_134 = arith.remsi %sub3A_132, %rem3A_133 : i32
      %dma_wait3A_135 = arith.constant 0 : i32
      %dma_wait3A_136 = arith.constant 0 : i32
      %dma_wait3A_137 = tpu.memref_slice %arg9[%rem3A_134, %dma_wait3A_135, %dma_wait3A_136] : memref<2x128x128xf32, #tpu.memory_space<vmem>> -> memref<1x128x128xf32, #tpu.memory_space<vmem>>
      %dma_wait3A_138 = tpu.memref_squeeze %dma_wait3A_137 : memref<1x128x128xf32, #tpu.memory_space<vmem>> -> memref<128x128xf32, #tpu.memory_space<vmem>>
      %dma_wait3A_139 = arith.constant 0 : i32
      %dma_wait3A_140 = arith.constant 0 : i32
      %dma_wait3A_141 = tpu.memref_slice %arg2[%dma_wait3A_139, %dma_wait3A_140] : memref<10000x128xf32, #tpu.memory_space<hbm>> -> memref<128x128xf32, #tpu.memory_space<hbm>>
      %dma_wait3A_142 = arith.constant 0 : i32
      %dma_wait3A_143 = arith.constant 0 : i32
      %dma_wait3A_144 = tpu.memref_slice %arg9[%rem3A_134, %dma_wait3A_142, %dma_wait3A_143] : memref<2x128x128xf32, #tpu.memory_space<vmem>> -> memref<1x128x128xf32, #tpu.memory_space<vmem>>
      %dma_wait3A_145 = tpu.memref_squeeze %dma_wait3A_144 : memref<1x128x128xf32, #tpu.memory_space<vmem>> -> memref<128x128xf32, #tpu.memory_space<vmem>>
      %dma_wait3A_146 = arith.constant 0 : i32
      %dma_wait3A_147 = arith.constant 0 : i32
      %dma_wait3A_148 = tpu.memref_slice %arg2[%dma_wait3A_146, %dma_wait3A_147] : memref<10000x128xf32, #tpu.memory_space<hbm>> -> memref<128x128xf32, #tpu.memory_space<hbm>>
      tpu.wait_dma2 semaphore(%arg13 : memref<!tpu.dma_semaphore, #tpu.memory_space<semaphore_mem>>) src(%dma_wait3A_148 : memref<128x128xf32, #tpu.memory_space<hbm>>) dst(%dma_wait3A_145 : memref<128x128xf32, #tpu.memory_space<vmem>>)
      %gt3A = arith.cmpi sgt, %while3A_131, %select_n3A : i32
      %convert_element_type3A_149 = arith.extui %gt3A : i1 to i32
      %cond3A_150 = arith.constant 0 : i32
      %cond3A_151 = arith.cmpi ne, %convert_element_type3A_149, %cond3A_150 : i32
      scf.if %cond3A_151 {
        %sub3A_184 = arith.constant 1 : i32
        %sub3A_185 = arith.subi %sub3A_184, %rem3A_134 : i32
        %dma_wait3A_186 = arith.constant 0 : i32
        %dma_wait3A_187 = arith.constant 0 : i32
        %dma_wait3A_188 = tpu.memref_slice %arg9[%sub3A_185, %dma_wait3A_186, %dma_wait3A_187] : memref<2x128x128xf32, #tpu.memory_space<vmem>> -> memref<1x128x128xf32, #tpu.memory_space<vmem>>
        %dma_wait3A_189 = tpu.memref_squeeze %dma_wait3A_188 : memref<1x128x128xf32, #tpu.memory_space<vmem>> -> memref<128x128xf32, #tpu.memory_space<vmem>>
        %dma_wait3A_190 = arith.constant 0 : i32
        %dma_wait3A_191 = arith.constant 0 : i32
        %dma_wait3A_192 = tpu.memref_slice %arg2[%dma_wait3A_190, %dma_wait3A_191] : memref<10000x128xf32, #tpu.memory_space<hbm>> -> memref<128x128xf32, #tpu.memory_space<hbm>>
        %dma_wait3A_193 = arith.constant 0 : i32
        %dma_wait3A_194 = arith.constant 0 : i32
        %dma_wait3A_195 = tpu.memref_slice %arg9[%sub3A_185, %dma_wait3A_193, %dma_wait3A_194] : memref<2x128x128xf32, #tpu.memory_space<vmem>> -> memref<1x128x128xf32, #tpu.memory_space<vmem>>
        %dma_wait3A_196 = tpu.memref_squeeze %dma_wait3A_195 : memref<1x128x128xf32, #tpu.memory_space<vmem>> -> memref<128x128xf32, #tpu.memory_space<vmem>>
        %dma_wait3A_197 = arith.constant 0 : i32
        %dma_wait3A_198 = arith.constant 0 : i32
        %dma_wait3A_199 = tpu.memref_slice %arg2[%dma_wait3A_197, %dma_wait3A_198] : memref<10000x128xf32, #tpu.memory_space<hbm>> -> memref<128x128xf32, #tpu.memory_space<hbm>>
        tpu.wait_dma2 semaphore(%arg14 : memref<!tpu.dma_semaphore, #tpu.memory_space<semaphore_mem>>) src(%dma_wait3A_199 : memref<128x128xf32, #tpu.memory_space<hbm>>) dst(%dma_wait3A_196 : memref<128x128xf32, #tpu.memory_space<vmem>>)
      } else {
      }
      %dma_wait3A_152 = arith.constant 0 : i32
      %dma_wait3A_153 = tpu.memref_slice %arg7[%rem3A_134, %dma_wait3A_152] : memref<2x128xi32, #tpu.memory_space<vmem>> -> memref<1x128xi32, #tpu.memory_space<vmem>>
      %dma_wait3A_154 = tpu.memref_squeeze %dma_wait3A_153 : memref<1x128xi32, #tpu.memory_space<vmem>> -> memref<128xi32, #tpu.memory_space<vmem>>
      %dma_wait3A_155 = arith.constant 0 : i32
      %dma_wait3A_156 = tpu.memref_slice %arg3[%dma_wait3A_155] : memref<320000xi32, #tpu.memory_space<hbm>> -> memref<128xi32, #tpu.memory_space<hbm>>
      %dma_wait3A_157 = arith.constant 0 : i32
      %dma_wait3A_158 = tpu.memref_slice %arg7[%rem3A_134, %dma_wait3A_157] : memref<2x128xi32, #tpu.memory_space<vmem>> -> memref<1x128xi32, #tpu.memory_space<vmem>>
      %dma_wait3A_159 = tpu.memref_squeeze %dma_wait3A_158 : memref<1x128xi32, #tpu.memory_space<vmem>> -> memref<128xi32, #tpu.memory_space<vmem>>
      %dma_wait3A_160 = arith.constant 0 : i32
      %dma_wait3A_161 = tpu.memref_slice %arg3[%dma_wait3A_160] : memref<320000xi32, #tpu.memory_space<hbm>> -> memref<128xi32, #tpu.memory_space<hbm>>
      tpu.wait_dma2 semaphore(%arg12 : memref<!tpu.dma_semaphore, #tpu.memory_space<semaphore_mem>>) src(%dma_wait3A_161 : memref<128xi32, #tpu.memory_space<hbm>>) dst(%dma_wait3A_159 : memref<128xi32, #tpu.memory_space<vmem>>)
      %dma_start3A_162 = arith.constant 0 : i32
      %dma_start3A_163 = arith.constant 0 : i32
      %dma_start3A_164 = tpu.memref_slice %arg9[%rem3A_134, %dma_start3A_162, %dma_start3A_163] : memref<2x128x128xf32, #tpu.memory_space<vmem>> -> memref<1x128x128xf32, #tpu.memory_space<vmem>>
      %dma_start3A_165 = tpu.memref_squeeze %dma_start3A_164 : memref<1x128x128xf32, #tpu.memory_space<vmem>> -> memref<128x128xf32, #tpu.memory_space<vmem>>
      %dma_start3A_166 = arith.constant 0 : i32
      %dma_start3A_167 = tpu.memref_slice %arg8[%rem3A_134, %dma_start3A_166] : memref<2x128xi32, #tpu.memory_space<vmem>> -> memref<1x128xi32, #tpu.memory_space<vmem>>
      %dma_start3A_168 = tpu.memref_squeeze %dma_start3A_167 : memref<1x128xi32, #tpu.memory_space<vmem>> -> memref<128xi32, #tpu.memory_space<vmem>>
      %dma_start3A_169 = arith.constant 0 : i32
      %dma_start3A_170 = arith.constant 0 : i32
      %dma_start3A_171 = tpu.memref_slice %arg10[%dma_start3A_169, %dma_start3A_170] : memref<10000x128xf32, #tpu.memory_space<vmem_shared>> -> memref<10000x128xf32, #tpu.memory_space<vmem_shared>>
      tpu.enqueue_indirect_dma source(%dma_start3A_165 : memref<128x128xf32, #tpu.memory_space<vmem>>) target(%dma_start3A_171 : memref<10000x128xf32, #tpu.memory_space<vmem_shared>>) offsets(%dma_start3A_168 : memref<128xi32, #tpu.memory_space<vmem>>) semaphore(%arg14 : memref<!tpu.dma_semaphore, #tpu.memory_space<semaphore_mem>>) {add = true}
      %add3A_172 = arith.constant 1 : i32
      %add3A_173 = arith.addi %while3A_131, %add3A_172 : i32
      %lt3A_174 = arith.cmpi slt, %add3A_173, %select_n3A_46 : i32
      %convert_element_type3A_175 = arith.extui %lt3A_174 : i1 to i32
      %cond3A_176 = arith.constant 0 : i32
      %cond3A_177 = arith.cmpi ne, %convert_element_type3A_175, %cond3A_176 : i32
      scf.if %cond3A_177 {
        %add3A_184 = arith.constant 1 : i32
        %add3A_185 = arith.addi %while3A_131, %add3A_184 : i32
        %sub3A_186 = arith.constant 1 : i32
        %sub3A_187 = arith.subi %sub3A_186, %rem3A_134 : i32
        %mul3A_188 = arith.constant 128 : i32
        %mul3A_189 = arith.muli %add3A_185, %mul3A_188 : i32
        %dma_start3A_190 = arith.constant 0 : i32
        %dma_start3A_191 = tpu.memref_slice %arg8[%sub3A_187, %dma_start3A_190] : memref<2x128xi32, #tpu.memory_space<vmem>> -> memref<1x128xi32, #tpu.memory_space<vmem>>
        %dma_start3A_192 = tpu.memref_squeeze %dma_start3A_191 : memref<1x128xi32, #tpu.memory_space<vmem>> -> memref<128xi32, #tpu.memory_space<vmem>>
        %dma_start3A_193 = tpu.memref_slice %arg4[%mul3A_189] : memref<320000xi32, #tpu.memory_space<hbm>> -> memref<128xi32, #tpu.memory_space<hbm>>
        %dma_start3A_194 = arith.constant 0 : i32
        %dma_start3A_195 = tpu.memref_slice %arg8[%sub3A_187, %dma_start3A_194] : memref<2x128xi32, #tpu.memory_space<vmem>> -> memref<1x128xi32, #tpu.memory_space<vmem>>
        %dma_start3A_196 = tpu.memref_squeeze %dma_start3A_195 : memref<1x128xi32, #tpu.memory_space<vmem>> -> memref<128xi32, #tpu.memory_space<vmem>>
        %dma_start3A_197 = tpu.memref_slice %arg4[%mul3A_189] : memref<320000xi32, #tpu.memory_space<hbm>> -> memref<128xi32, #tpu.memory_space<hbm>>
        tpu.enqueue_dma source(%dma_start3A_197 : memref<128xi32, #tpu.memory_space<hbm>>) target(%dma_start3A_196 : memref<128xi32, #tpu.memory_space<vmem>>) target_semaphore(%arg12 : memref<!tpu.dma_semaphore, #tpu.memory_space<semaphore_mem>>)
        %sub3A_198 = arith.constant 1 : i32
        %sub3A_199 = arith.subi %sub3A_198, %rem3A_134 : i32
        %dma_wait3A_200 = arith.constant 0 : i32
        %dma_wait3A_201 = tpu.memref_slice %arg7[%sub3A_199, %dma_wait3A_200] : memref<2x128xi32, #tpu.memory_space<vmem>> -> memref<1x128xi32, #tpu.memory_space<vmem>>
        %dma_wait3A_202 = tpu.memref_squeeze %dma_wait3A_201 : memref<1x128xi32, #tpu.memory_space<vmem>> -> memref<128xi32, #tpu.memory_space<vmem>>
        %dma_wait3A_203 = arith.constant 0 : i32
        %dma_wait3A_204 = tpu.memref_slice %arg3[%dma_wait3A_203] : memref<320000xi32, #tpu.memory_space<hbm>> -> memref<128xi32, #tpu.memory_space<hbm>>
        %dma_wait3A_205 = arith.constant 0 : i32
        %dma_wait3A_206 = tpu.memref_slice %arg7[%sub3A_199, %dma_wait3A_205] : memref<2x128xi32, #tpu.memory_space<vmem>> -> memref<1x128xi32, #tpu.memory_space<vmem>>
        %dma_wait3A_207 = tpu.memref_squeeze %dma_wait3A_206 : memref<1x128xi32, #tpu.memory_space<vmem>> -> memref<128xi32, #tpu.memory_space<vmem>>
        %dma_wait3A_208 = arith.constant 0 : i32
        %dma_wait3A_209 = tpu.memref_slice %arg3[%dma_wait3A_208] : memref<320000xi32, #tpu.memory_space<hbm>> -> memref<128xi32, #tpu.memory_space<hbm>>
        tpu.wait_dma2 semaphore(%arg11 : memref<!tpu.dma_semaphore, #tpu.memory_space<semaphore_mem>>) src(%dma_wait3A_209 : memref<128xi32, #tpu.memory_space<hbm>>) dst(%dma_wait3A_207 : memref<128xi32, #tpu.memory_space<vmem>>)
        %sub3A_210 = arith.constant 1 : i32
        %sub3A_211 = arith.subi %sub3A_210, %rem3A_134 : i32
        %sub3A_212 = arith.constant 1 : i32
        %sub3A_213 = arith.subi %sub3A_212, %rem3A_134 : i32
        %dma_start3A_214 = arith.constant 0 : i32
        %dma_start3A_215 = arith.constant 0 : i32
        %dma_start3A_216 = tpu.memref_slice %arg9[%sub3A_213, %dma_start3A_214, %dma_start3A_215] : memref<2x128x128xf32, #tpu.memory_space<vmem>> -> memref<1x128x128xf32, #tpu.memory_space<vmem>>
        %dma_start3A_217 = tpu.memref_squeeze %dma_start3A_216 : memref<1x128x128xf32, #tpu.memory_space<vmem>> -> memref<128x128xf32, #tpu.memory_space<vmem>>
        %dma_start3A_218 = arith.constant 0 : i32
        %dma_start3A_219 = tpu.memref_slice %arg7[%sub3A_211, %dma_start3A_218] : memref<2x128xi32, #tpu.memory_space<vmem>> -> memref<1x128xi32, #tpu.memory_space<vmem>>
        %dma_start3A_220 = tpu.memref_squeeze %dma_start3A_219 : memref<1x128xi32, #tpu.memory_space<vmem>> -> memref<128xi32, #tpu.memory_space<vmem>>
        %dma_start3A_221 = arith.constant 0 : i32
        %dma_start3A_222 = arith.constant 0 : i32
        %dma_start3A_223 = tpu.memref_slice %arg2[%dma_start3A_221, %dma_start3A_222] : memref<10000x128xf32, #tpu.memory_space<hbm>> -> memref<10000x128xf32, #tpu.memory_space<hbm>>
        tpu.enqueue_indirect_dma source(%dma_start3A_223 : memref<10000x128xf32, #tpu.memory_space<hbm>>) target(%dma_start3A_217 : memref<128x128xf32, #tpu.memory_space<vmem>>) offsets(%dma_start3A_220 : memref<128xi32, #tpu.memory_space<vmem>>) semaphore(%arg13 : memref<!tpu.dma_semaphore, #tpu.memory_space<semaphore_mem>>)
      } else {
      }
      %add3A_178 = arith.constant 2 : i32
      %add3A_179 = arith.addi %while3A_131, %add3A_178 : i32
      %lt3A_180 = arith.cmpi slt, %add3A_179, %select_n3A_46 : i32
      %convert_element_type3A_181 = arith.extui %lt3A_180 : i1 to i32
      %cond3A_182 = arith.constant 0 : i32
      %cond3A_183 = arith.cmpi ne, %convert_element_type3A_181, %cond3A_182 : i32
      scf.if %cond3A_183 {
        %add3A_184 = arith.constant 2 : i32
        %add3A_185 = arith.addi %while3A_131, %add3A_184 : i32
        %mul3A_186 = arith.constant 128 : i32
        %mul3A_187 = arith.muli %add3A_185, %mul3A_186 : i32
        %dma_start3A_188 = arith.constant 0 : i32
        %dma_start3A_189 = tpu.memref_slice %arg7[%rem3A_134, %dma_start3A_188] : memref<2x128xi32, #tpu.memory_space<vmem>> -> memref<1x128xi32, #tpu.memory_space<vmem>>
        %dma_start3A_190 = tpu.memref_squeeze %dma_start3A_189 : memref<1x128xi32, #tpu.memory_space<vmem>> -> memref<128xi32, #tpu.memory_space<vmem>>
        %dma_start3A_191 = tpu.memref_slice %arg3[%mul3A_187] : memref<320000xi32, #tpu.memory_space<hbm>> -> memref<128xi32, #tpu.memory_space<hbm>>
        %dma_start3A_192 = arith.constant 0 : i32
        %dma_start3A_193 = tpu.memref_slice %arg7[%rem3A_134, %dma_start3A_192] : memref<2x128xi32, #tpu.memory_space<vmem>> -> memref<1x128xi32, #tpu.memory_space<vmem>>
        %dma_start3A_194 = tpu.memref_squeeze %dma_start3A_193 : memref<1x128xi32, #tpu.memory_space<vmem>> -> memref<128xi32, #tpu.memory_space<vmem>>
        %dma_start3A_195 = tpu.memref_slice %arg3[%mul3A_187] : memref<320000xi32, #tpu.memory_space<hbm>> -> memref<128xi32, #tpu.memory_space<hbm>>
        tpu.enqueue_dma source(%dma_start3A_195 : memref<128xi32, #tpu.memory_space<hbm>>) target(%dma_start3A_194 : memref<128xi32, #tpu.memory_space<vmem>>) target_semaphore(%arg11 : memref<!tpu.dma_semaphore, #tpu.memory_space<semaphore_mem>>)
      } else {
      }
    }
    %while3A_105 = arith.constant 1 : i32
    scf.for %while3A_131 = %while3A_103 to %while3A_99 step %while3A_105  : i32 {
      %sub3A_132 = arith.subi %while3A_131, %select_n3A : i32
      %rem3A_133 = arith.constant 2 : i32
      %rem3A_134 = arith.remsi %sub3A_132, %rem3A_133 : i32
      %dma_wait3A_135 = arith.constant 0 : i32
      %dma_wait3A_136 = arith.constant 0 : i32
      %dma_wait3A_137 = tpu.memref_slice %arg9[%rem3A_134, %dma_wait3A_135, %dma_wait3A_136] : memref<2x128x128xf32, #tpu.memory_space<vmem>> -> memref<1x128x128xf32, #tpu.memory_space<vmem>>
      %dma_wait3A_138 = tpu.memref_squeeze %dma_wait3A_137 : memref<1x128x128xf32, #tpu.memory_space<vmem>> -> memref<128x128xf32, #tpu.memory_space<vmem>>
      %dma_wait3A_139 = arith.constant 0 : i32
      %dma_wait3A_140 = arith.constant 0 : i32
      %dma_wait3A_141 = tpu.memref_slice %arg2[%dma_wait3A_139, %dma_wait3A_140] : memref<10000x128xf32, #tpu.memory_space<hbm>> -> memref<128x128xf32, #tpu.memory_space<hbm>>
      %dma_wait3A_142 = arith.constant 0 : i32
      %dma_wait3A_143 = arith.constant 0 : i32
      %dma_wait3A_144 = tpu.memref_slice %arg9[%rem3A_134, %dma_wait3A_142, %dma_wait3A_143] : memref<2x128x128xf32, #tpu.memory_space<vmem>> -> memref<1x128x128xf32, #tpu.memory_space<vmem>>
      %dma_wait3A_145 = tpu.memref_squeeze %dma_wait3A_144 : memref<1x128x128xf32, #tpu.memory_space<vmem>> -> memref<128x128xf32, #tpu.memory_space<vmem>>
      %dma_wait3A_146 = arith.constant 0 : i32
      %dma_wait3A_147 = arith.constant 0 : i32
      %dma_wait3A_148 = tpu.memref_slice %arg2[%dma_wait3A_146, %dma_wait3A_147] : memref<10000x128xf32, #tpu.memory_space<hbm>> -> memref<128x128xf32, #tpu.memory_space<hbm>>
      tpu.wait_dma2 semaphore(%arg13 : memref<!tpu.dma_semaphore, #tpu.memory_space<semaphore_mem>>) src(%dma_wait3A_148 : memref<128x128xf32, #tpu.memory_space<hbm>>) dst(%dma_wait3A_145 : memref<128x128xf32, #tpu.memory_space<vmem>>)
      %gt3A = arith.cmpi sgt, %while3A_131, %select_n3A : i32
      %convert_element_type3A_149 = arith.extui %gt3A : i1 to i32
      %cond3A_150 = arith.constant 0 : i32
      %cond3A_151 = arith.cmpi ne, %convert_element_type3A_149, %cond3A_150 : i32
      scf.if %cond3A_151 {
        %sub3A_184 = arith.constant 1 : i32
        %sub3A_185 = arith.subi %sub3A_184, %rem3A_134 : i32
        %dma_wait3A_186 = arith.constant 0 : i32
        %dma_wait3A_187 = arith.constant 0 : i32
        %dma_wait3A_188 = tpu.memref_slice %arg9[%sub3A_185, %dma_wait3A_186, %dma_wait3A_187] : memref<2x128x128xf32, #tpu.memory_space<vmem>> -> memref<1x128x128xf32, #tpu.memory_space<vmem>>
        %dma_wait3A_189 = tpu.memref_squeeze %dma_wait3A_188 : memref<1x128x128xf32, #tpu.memory_space<vmem>> -> memref<128x128xf32, #tpu.memory_space<vmem>>
        %dma_wait3A_190 = arith.constant 0 : i32
        %dma_wait3A_191 = arith.constant 0 : i32
        %dma_wait3A_192 = tpu.memref_slice %arg2[%dma_wait3A_190, %dma_wait3A_191] : memref<10000x128xf32, #tpu.memory_space<hbm>> -> memref<128x128xf32, #tpu.memory_space<hbm>>
        %dma_wait3A_193 = arith.constant 0 : i32
        %dma_wait3A_194 = arith.constant 0 : i32
        %dma_wait3A_195 = tpu.memref_slice %arg9[%sub3A_185, %dma_wait3A_193, %dma_wait3A_194] : memref<2x128x128xf32, #tpu.memory_space<vmem>> -> memref<1x128x128xf32, #tpu.memory_space<vmem>>
        %dma_wait3A_196 = tpu.memref_squeeze %dma_wait3A_195 : memref<1x128x128xf32, #tpu.memory_space<vmem>> -> memref<128x128xf32, #tpu.memory_space<vmem>>
        %dma_wait3A_197 = arith.constant 0 : i32
        %dma_wait3A_198 = arith.constant 0 : i32
        %dma_wait3A_199 = tpu.memref_slice %arg2[%dma_wait3A_197, %dma_wait3A_198] : memref<10000x128xf32, #tpu.memory_space<hbm>> -> memref<128x128xf32, #tpu.memory_space<hbm>>
        tpu.wait_dma2 semaphore(%arg14 : memref<!tpu.dma_semaphore, #tpu.memory_space<semaphore_mem>>) src(%dma_wait3A_199 : memref<128x128xf32, #tpu.memory_space<hbm>>) dst(%dma_wait3A_196 : memref<128x128xf32, #tpu.memory_space<vmem>>)
      } else {
      }
      %dma_wait3A_152 = arith.constant 0 : i32
      %dma_wait3A_153 = tpu.memref_slice %arg7[%rem3A_134, %dma_wait3A_152] : memref<2x128xi32, #tpu.memory_space<vmem>> -> memref<1x128xi32, #tpu.memory_space<vmem>>
      %dma_wait3A_154 = tpu.memref_squeeze %dma_wait3A_153 : memref<1x128xi32, #tpu.memory_space<vmem>> -> memref<128xi32, #tpu.memory_space<vmem>>
      %dma_wait3A_155 = arith.constant 0 : i32
      %dma_wait3A_156 = tpu.memref_slice %arg3[%dma_wait3A_155] : memref<320000xi32, #tpu.memory_space<hbm>> -> memref<128xi32, #tpu.memory_space<hbm>>
      %dma_wait3A_157 = arith.constant 0 : i32
      %dma_wait3A_158 = tpu.memref_slice %arg7[%rem3A_134, %dma_wait3A_157] : memref<2x128xi32, #tpu.memory_space<vmem>> -> memref<1x128xi32, #tpu.memory_space<vmem>>
      %dma_wait3A_159 = tpu.memref_squeeze %dma_wait3A_158 : memref<1x128xi32, #tpu.memory_space<vmem>> -> memref<128xi32, #tpu.memory_space<vmem>>
      %dma_wait3A_160 = arith.constant 0 : i32
      %dma_wait3A_161 = tpu.memref_slice %arg3[%dma_wait3A_160] : memref<320000xi32, #tpu.memory_space<hbm>> -> memref<128xi32, #tpu.memory_space<hbm>>
      tpu.wait_dma2 semaphore(%arg12 : memref<!tpu.dma_semaphore, #tpu.memory_space<semaphore_mem>>) src(%dma_wait3A_161 : memref<128xi32, #tpu.memory_space<hbm>>) dst(%dma_wait3A_159 : memref<128xi32, #tpu.memory_space<vmem>>)
      %dma_start3A_162 = arith.constant 0 : i32
      %dma_start3A_163 = arith.constant 0 : i32
      %dma_start3A_164 = tpu.memref_slice %arg9[%rem3A_134, %dma_start3A_162, %dma_start3A_163] : memref<2x128x128xf32, #tpu.memory_space<vmem>> -> memref<1x128x128xf32, #tpu.memory_space<vmem>>
      %dma_start3A_165 = tpu.memref_squeeze %dma_start3A_164 : memref<1x128x128xf32, #tpu.memory_space<vmem>> -> memref<128x128xf32, #tpu.memory_space<vmem>>
      %dma_start3A_166 = arith.constant 0 : i32
      %dma_start3A_167 = tpu.memref_slice %arg8[%rem3A_134, %dma_start3A_166] : memref<2x128xi32, #tpu.memory_space<vmem>> -> memref<1x128xi32, #tpu.memory_space<vmem>>
      %dma_start3A_168 = tpu.memref_squeeze %dma_start3A_167 : memref<1x128xi32, #tpu.memory_space<vmem>> -> memref<128xi32, #tpu.memory_space<vmem>>
      %dma_start3A_169 = arith.constant 0 : i32
      %dma_start3A_170 = arith.constant 0 : i32
      %dma_start3A_171 = tpu.memref_slice %arg10[%dma_start3A_169, %dma_start3A_170] : memref<10000x128xf32, #tpu.memory_space<vmem_shared>> -> memref<10000x128xf32, #tpu.memory_space<vmem_shared>>
      tpu.enqueue_indirect_dma source(%dma_start3A_165 : memref<128x128xf32, #tpu.memory_space<vmem>>) target(%dma_start3A_171 : memref<10000x128xf32, #tpu.memory_space<vmem_shared>>) offsets(%dma_start3A_168 : memref<128xi32, #tpu.memory_space<vmem>>) semaphore(%arg14 : memref<!tpu.dma_semaphore, #tpu.memory_space<semaphore_mem>>) {add = true}
      %add3A_172 = arith.constant 1 : i32
      %add3A_173 = arith.addi %while3A_131, %add3A_172 : i32
      %lt3A_174 = arith.cmpi slt, %add3A_173, %select_n3A_46 : i32
      %convert_element_type3A_175 = arith.extui %lt3A_174 : i1 to i32
      %cond3A_176 = arith.constant 0 : i32
      %cond3A_177 = arith.cmpi ne, %convert_element_type3A_175, %cond3A_176 : i32
      scf.if %cond3A_177 {
        %add3A_184 = arith.constant 1 : i32
        %add3A_185 = arith.addi %while3A_131, %add3A_184 : i32
        %sub3A_186 = arith.constant 1 : i32
        %sub3A_187 = arith.subi %sub3A_186, %rem3A_134 : i32
        %mul3A_188 = arith.constant 128 : i32
        %mul3A_189 = arith.muli %add3A_185, %mul3A_188 : i32
        %dma_start3A_190 = arith.constant 0 : i32
        %dma_start3A_191 = tpu.memref_slice %arg8[%sub3A_187, %dma_start3A_190] : memref<2x128xi32, #tpu.memory_space<vmem>> -> memref<1x128xi32, #tpu.memory_space<vmem>>
        %dma_start3A_192 = tpu.memref_squeeze %dma_start3A_191 : memref<1x128xi32, #tpu.memory_space<vmem>> -> memref<128xi32, #tpu.memory_space<vmem>>
        %dma_start3A_193 = tpu.memref_slice %arg4[%mul3A_189] : memref<320000xi32, #tpu.memory_space<hbm>> -> memref<128xi32, #tpu.memory_space<hbm>>
        %dma_start3A_194 = arith.constant 0 : i32
        %dma_start3A_195 = tpu.memref_slice %arg8[%sub3A_187, %dma_start3A_194] : memref<2x128xi32, #tpu.memory_space<vmem>> -> memref<1x128xi32, #tpu.memory_space<vmem>>
        %dma_start3A_196 = tpu.memref_squeeze %dma_start3A_195 : memref<1x128xi32, #tpu.memory_space<vmem>> -> memref<128xi32, #tpu.memory_space<vmem>>
        %dma_start3A_197 = tpu.memref_slice %arg4[%mul3A_189] : memref<320000xi32, #tpu.memory_space<hbm>> -> memref<128xi32, #tpu.memory_space<hbm>>
        tpu.enqueue_dma source(%dma_start3A_197 : memref<128xi32, #tpu.memory_space<hbm>>) target(%dma_start3A_196 : memref<128xi32, #tpu.memory_space<vmem>>) target_semaphore(%arg12 : memref<!tpu.dma_semaphore, #tpu.memory_space<semaphore_mem>>)
        %sub3A_198 = arith.constant 1 : i32
        %sub3A_199 = arith.subi %sub3A_198, %rem3A_134 : i32
        %dma_wait3A_200 = arith.constant 0 : i32
        %dma_wait3A_201 = tpu.memref_slice %arg7[%sub3A_199, %dma_wait3A_200] : memref<2x128xi32, #tpu.memory_space<vmem>> -> memref<1x128xi32, #tpu.memory_space<vmem>>
        %dma_wait3A_202 = tpu.memref_squeeze %dma_wait3A_201 : memref<1x128xi32, #tpu.memory_space<vmem>> -> memref<128xi32, #tpu.memory_space<vmem>>
        %dma_wait3A_203 = arith.constant 0 : i32
        %dma_wait3A_204 = tpu.memref_slice %arg3[%dma_wait3A_203] : memref<320000xi32, #tpu.memory_space<hbm>> -> memref<128xi32, #tpu.memory_space<hbm>>
        %dma_wait3A_205 = arith.constant 0 : i32
        %dma_wait3A_206 = tpu.memref_slice %arg7[%sub3A_199, %dma_wait3A_205] : memref<2x128xi32, #tpu.memory_space<vmem>> -> memref<1x128xi32, #tpu.memory_space<vmem>>
        %dma_wait3A_207 = tpu.memref_squeeze %dma_wait3A_206 : memref<1x128xi32, #tpu.memory_space<vmem>> -> memref<128xi32, #tpu.memory_space<vmem>>
        %dma_wait3A_208 = arith.constant 0 : i32
        %dma_wait3A_209 = tpu.memref_slice %arg3[%dma_wait3A_208] : memref<320000xi32, #tpu.memory_space<hbm>> -> memref<128xi32, #tpu.memory_space<hbm>>
        tpu.wait_dma2 semaphore(%arg11 : memref<!tpu.dma_semaphore, #tpu.memory_space<semaphore_mem>>) src(%dma_wait3A_209 : memref<128xi32, #tpu.memory_space<hbm>>) dst(%dma_wait3A_207 : memref<128xi32, #tpu.memory_space<vmem>>)
        %sub3A_210 = arith.constant 1 : i32
        %sub3A_211 = arith.subi %sub3A_210, %rem3A_134 : i32
        %sub3A_212 = arith.constant 1 : i32
        %sub3A_213 = arith.subi %sub3A_212, %rem3A_134 : i32
        %dma_start3A_214 = arith.constant 0 : i32
        %dma_start3A_215 = arith.constant 0 : i32
        %dma_start3A_216 = tpu.memref_slice %arg9[%sub3A_213, %dma_start3A_214, %dma_start3A_215] : memref<2x128x128xf32, #tpu.memory_space<vmem>> -> memref<1x128x128xf32, #tpu.memory_space<vmem>>
        %dma_start3A_217 = tpu.memref_squeeze %dma_start3A_216 : memref<1x128x128xf32, #tpu.memory_space<vmem>> -> memref<128x128xf32, #tpu.memory_space<vmem>>
        %dma_start3A_218 = arith.constant 0 : i32
        %dma_start3A_219 = tpu.memref_slice %arg7[%sub3A_211, %dma_start3A_218] : memref<2x128xi32, #tpu.memory_space<vmem>> -> memref<1x128xi32, #tpu.memory_space<vmem>>
        %dma_start3A_220 = tpu.memref_squeeze %dma_start3A_219 : memref<1x128xi32, #tpu.memory_space<vmem>> -> memref<128xi32, #tpu.memory_space<vmem>>
        %dma_start3A_221 = arith.constant 0 : i32
        %dma_start3A_222 = arith.constant 0 : i32
        %dma_start3A_223 = tpu.memref_slice %arg2[%dma_start3A_221, %dma_start3A_222] : memref<10000x128xf32, #tpu.memory_space<hbm>> -> memref<10000x128xf32, #tpu.memory_space<hbm>>
        tpu.enqueue_indirect_dma source(%dma_start3A_223 : memref<10000x128xf32, #tpu.memory_space<hbm>>) target(%dma_start3A_217 : memref<128x128xf32, #tpu.memory_space<vmem>>) offsets(%dma_start3A_220 : memref<128xi32, #tpu.memory_space<vmem>>) semaphore(%arg13 : memref<!tpu.dma_semaphore, #tpu.memory_space<semaphore_mem>>)
      } else {
      }
      %add3A_178 = arith.constant 2 : i32
      %add3A_179 = arith.addi %while3A_131, %add3A_178 : i32
      %lt3A_180 = arith.cmpi slt, %add3A_179, %select_n3A_46 : i32
      %convert_element_type3A_181 = arith.extui %lt3A_180 : i1 to i32
      %cond3A_182 = arith.constant 0 : i32
      %cond3A_183 = arith.cmpi ne, %convert_element_type3A_181, %cond3A_182 : i32
      scf.if %cond3A_183 {
        %add3A_184 = arith.constant 2 : i32
        %add3A_185 = arith.addi %while3A_131, %add3A_184 : i32
        %mul3A_186 = arith.constant 128 : i32
        %mul3A_187 = arith.muli %add3A_185, %mul3A_186 : i32
        %dma_start3A_188 = arith.constant 0 : i32
        %dma_start3A_189 = tpu.memref_slice %arg7[%rem3A_134, %dma_start3A_188] : memref<2x128xi32, #tpu.memory_space<vmem>> -> memref<1x128xi32, #tpu.memory_space<vmem>>
        %dma_start3A_190 = tpu.memref_squeeze %dma_start3A_189 : memref<1x128xi32, #tpu.memory_space<vmem>> -> memref<128xi32, #tpu.memory_space<vmem>>
        %dma_start3A_191 = tpu.memref_slice %arg3[%mul3A_187] : memref<320000xi32, #tpu.memory_space<hbm>> -> memref<128xi32, #tpu.memory_space<hbm>>
        %dma_start3A_192 = arith.constant 0 : i32
        %dma_start3A_193 = tpu.memref_slice %arg7[%rem3A_134, %dma_start3A_192] : memref<2x128xi32, #tpu.memory_space<vmem>> -> memref<1x128xi32, #tpu.memory_space<vmem>>
        %dma_start3A_194 = tpu.memref_squeeze %dma_start3A_193 : memref<1x128xi32, #tpu.memory_space<vmem>> -> memref<128xi32, #tpu.memory_space<vmem>>
        %dma_start3A_195 = tpu.memref_slice %arg3[%mul3A_187] : memref<320000xi32, #tpu.memory_space<hbm>> -> memref<128xi32, #tpu.memory_space<hbm>>
        tpu.enqueue_dma source(%dma_start3A_195 : memref<128xi32, #tpu.memory_space<hbm>>) target(%dma_start3A_194 : memref<128xi32, #tpu.memory_space<vmem>>) target_semaphore(%arg11 : memref<!tpu.dma_semaphore, #tpu.memory_space<semaphore_mem>>)
      } else {
      }
    }
    %sub3A_106 = arith.constant 1 : i32
    %sub3A_107 = arith.subi %select_n3A_46, %sub3A_106 : i32
    %sub3A_108 = arith.subi %sub3A_107, %select_n3A : i32
    %rem3A_109 = arith.constant 2 : i32
    %rem3A_110 = arith.remsi %sub3A_108, %rem3A_109 : i32
    %dma_wait3A_111 = arith.constant 0 : i32
    %dma_wait3A_112 = arith.constant 0 : i32
    %dma_wait3A_113 = tpu.memref_slice %arg9[%rem3A_110, %dma_wait3A_111, %dma_wait3A_112] : memref<2x128x128xf32, #tpu.memory_space<vmem>> -> memref<1x128x128xf32, #tpu.memory_space<vmem>>
    %dma_wait3A_114 = tpu.memref_squeeze %dma_wait3A_113 : memref<1x128x128xf32, #tpu.memory_space<vmem>> -> memref<128x128xf32, #tpu.memory_space<vmem>>
    %dma_wait3A_115 = arith.constant 0 : i32
    %dma_wait3A_116 = arith.constant 0 : i32
    %dma_wait3A_117 = tpu.memref_slice %arg2[%dma_wait3A_115, %dma_wait3A_116] : memref<10000x128xf32, #tpu.memory_space<hbm>> -> memref<128x128xf32, #tpu.memory_space<hbm>>
    %dma_wait3A_118 = arith.constant 0 : i32
    %dma_wait3A_119 = arith.constant 0 : i32
    %dma_wait3A_120 = tpu.memref_slice %arg9[%rem3A_110, %dma_wait3A_118, %dma_wait3A_119] : memref<2x128x128xf32, #tpu.memory_space<vmem>> -> memref<1x128x128xf32, #tpu.memory_space<vmem>>
    %dma_wait3A_121 = tpu.memref_squeeze %dma_wait3A_120 : memref<1x128x128xf32, #tpu.memory_space<vmem>> -> memref<128x128xf32, #tpu.memory_space<vmem>>
    %dma_wait3A_122 = arith.constant 0 : i32
    %dma_wait3A_123 = arith.constant 0 : i32
    %dma_wait3A_124 = tpu.memref_slice %arg2[%dma_wait3A_122, %dma_wait3A_123] : memref<10000x128xf32, #tpu.memory_space<hbm>> -> memref<128x128xf32, #tpu.memory_space<hbm>>
    tpu.wait_dma2 semaphore(%arg14 : memref<!tpu.dma_semaphore, #tpu.memory_space<semaphore_mem>>) src(%dma_wait3A_124 : memref<128x128xf32, #tpu.memory_space<hbm>>) dst(%dma_wait3A_121 : memref<128x128xf32, #tpu.memory_space<vmem>>)
    %barrier3A_125 = arith.constant 0 : index
    tpu.barrier barrier_id(%barrier3A_125)
    %lt3A_126 = arith.constant 10 : i32
    %lt3A_127 = arith.cmpi slt, %arg1, %lt3A_126 : i32
    %convert_element_type3A_128 = arith.extui %lt3A_127 : i1 to i32
    %cond3A_129 = arith.constant 0 : i32
    %cond3A_130 = arith.cmpi ne, %convert_element_type3A_128, %cond3A_129 : i32
    scf.if %cond3A_130 {
      %mul3A_131 = arith.constant 1000 : i32
      %mul3A_132 = arith.muli %arg1, %mul3A_131 : i32
      %mul3A_133 = arith.constant 1000 : i32
      %mul3A_134 = arith.muli %arg1, %mul3A_133 : i32
      "tpu.region"() ({
        %run_scoped3A = tpu.sem_alloc : memref<!tpu.dma_semaphore, #tpu.memory_space<semaphore_mem>>
        %dma_start3A_135 = arith.constant 0 : i32
        %dma_start3A_136 = tpu.memref_slice %arg6[%arg0, %mul3A_134, %dma_start3A_135] : memref<2x10000x128xf32, #tpu.memory_space<hbm>> -> memref<1x1000x128xf32, #tpu.memory_space<hbm>>
        %dma_start3A_137 = tpu.memref_squeeze %dma_start3A_136 : memref<1x1000x128xf32, #tpu.memory_space<hbm>> -> memref<1000x128xf32, #tpu.memory_space<hbm>>
        %dma_start3A_138 = arith.constant 0 : i32
        %dma_start3A_139 = tpu.memref_slice %arg10[%mul3A_132, %dma_start3A_138] : memref<10000x128xf32, #tpu.memory_space<vmem_shared>> -> memref<1000x128xf32, #tpu.memory_space<vmem_shared>>
        tpu.enqueue_dma source(%dma_start3A_139 : memref<1000x128xf32, #tpu.memory_space<vmem_shared>>) target(%dma_start3A_137 : memref<1000x128xf32, #tpu.memory_space<hbm>>) target_semaphore(%run_scoped3A : memref<!tpu.dma_semaphore, #tpu.memory_space<semaphore_mem>>)
        %dma_wait3A_140 = arith.constant 0 : i32
        %dma_wait3A_141 = tpu.memref_slice %arg6[%arg0, %mul3A_134, %dma_wait3A_140] : memref<2x10000x128xf32, #tpu.memory_space<hbm>> -> memref<1x1000x128xf32, #tpu.memory_space<hbm>>
        %dma_wait3A_142 = tpu.memref_squeeze %dma_wait3A_141 : memref<1x1000x128xf32, #tpu.memory_space<hbm>> -> memref<1000x128xf32, #tpu.memory_space<hbm>>
        %dma_wait3A_143 = arith.constant 0 : i32
        %dma_wait3A_144 = tpu.memref_slice %arg10[%mul3A_132, %dma_wait3A_143] : memref<10000x128xf32, #tpu.memory_space<vmem_shared>> -> memref<1000x128xf32, #tpu.memory_space<vmem_shared>>
        tpu.wait_dma2 semaphore(%run_scoped3A : memref<!tpu.dma_semaphore, #tpu.memory_space<semaphore_mem>>) src(%dma_wait3A_144 : memref<1000x128xf32, #tpu.memory_space<vmem_shared>>) dst(%dma_wait3A_142 : memref<1000x128xf32, #tpu.memory_space<hbm>>)
        tpu.yield
      }) : () -> ()
    } else {
    }
    return
  }
}

#map = affine_map<(d0, d1) -> (0)>
#map1 = affine_map<(d0, d1) -> (0, 0)>
#map2 = affine_map<(d0, d1) -> (0, 0, 0)>
module attributes {stable_mosaic.version = 14 : i64} {
  func.func @_sc_deg(%arg0: i32, %arg1: i32, %arg2: memref<320000xi32, #tpu.memory_space<hbm>>, %arg3: memref<80x128xf32, #tpu.memory_space<hbm>>, %arg4: memref<1000x128xf32, #tpu.memory_space<hbm>>, %arg5: memref<2x10000x128xf32, #tpu.memory_space<hbm>>, %arg6: memref<80xi32, #tpu.memory_space<vmem>>, %arg7: memref<80x128xf32, #tpu.memory_space<vmem>>, %arg8: memref<10000x128xf32, #tpu.memory_space<vmem_shared>>) attributes {dimension_semantics = [#tpu.dimension_semantics<core_parallel>, #tpu.dimension_semantics<subcore_parallel>], iteration_bounds = array<i64: 2, 16>, scalar_prefetch = 0 : i64, scratch_operands = 3 : i64, tpu.core_type = #tpu.core_type<sc_vector_subcore>, window_params = [{transform_indices = #map}, {transform_indices = #map1}, {transform_indices = #map1}, {transform_indices = #map2}]} {
    %mul3A = arith.constant 16 : i32
    %mul3A_0 = arith.muli %arg0, %mul3A : i32
    %add3A = arith.addi %mul3A_0, %arg1 : i32
    %lt3A = arith.constant 10 : i32
    %lt3A_1 = arith.cmpi slt, %arg1, %lt3A : i32
    %convert_element_type3A = arith.extui %lt3A_1 : i1 to i32
    %cond3A = arith.constant 0 : i32
    %cond3A_2 = arith.cmpi ne, %convert_element_type3A, %cond3A : i32
    scf.if %cond3A_2 {
      %mul3A_14 = arith.constant 1000 : i32
      %mul3A_15 = arith.muli %arg1, %mul3A_14 : i32
      "tpu.region"() ({
        %run_scoped3A = tpu.sem_alloc : memref<!tpu.dma_semaphore, #tpu.memory_space<semaphore_mem>>
        %dma_start3A = arith.constant 0 : i32
        %dma_start3A_16 = tpu.memref_slice %arg8[%mul3A_15, %dma_start3A] : memref<10000x128xf32, #tpu.memory_space<vmem_shared>> -> memref<1000x128xf32, #tpu.memory_space<vmem_shared>>
        tpu.enqueue_dma source(%arg4 : memref<1000x128xf32, #tpu.memory_space<hbm>>) target(%dma_start3A_16 : memref<1000x128xf32, #tpu.memory_space<vmem_shared>>) target_semaphore(%run_scoped3A : memref<!tpu.dma_semaphore, #tpu.memory_space<semaphore_mem>>)
        %dma_wait3A = arith.constant 0 : i32
        %dma_wait3A_17 = tpu.memref_slice %arg8[%mul3A_15, %dma_wait3A] : memref<10000x128xf32, #tpu.memory_space<vmem_shared>> -> memref<1000x128xf32, #tpu.memory_space<vmem_shared>>
        tpu.wait_dma2 semaphore(%run_scoped3A : memref<!tpu.dma_semaphore, #tpu.memory_space<semaphore_mem>>) src(%arg4 : memref<1000x128xf32, #tpu.memory_space<hbm>>) dst(%dma_wait3A_17 : memref<1000x128xf32, #tpu.memory_space<vmem_shared>>)
        tpu.yield
      }) : () -> ()
    } else {
    }
    "tpu.region"() ({
      %run_scoped3A = tpu.sem_alloc : memref<!tpu.dma_semaphore, #tpu.memory_space<semaphore_mem>>
      tpu.enqueue_dma source(%arg3 : memref<80x128xf32, #tpu.memory_space<hbm>>) target(%arg7 : memref<80x128xf32, #tpu.memory_space<vmem>>) target_semaphore(%run_scoped3A : memref<!tpu.dma_semaphore, #tpu.memory_space<semaphore_mem>>)
      tpu.wait_dma2 semaphore(%run_scoped3A : memref<!tpu.dma_semaphore, #tpu.memory_space<semaphore_mem>>) src(%arg3 : memref<80x128xf32, #tpu.memory_space<hbm>>) dst(%arg7 : memref<80x128xf32, #tpu.memory_space<vmem>>)
      tpu.yield
    }) : () -> ()
    %barrier3A = arith.constant 0 : index
    tpu.barrier barrier_id(%barrier3A)
    %scan3A = arith.constant 0 : i32
    %scan3A_3 = arith.constant 0 : i32
    %scan3A_4 = arith.constant 125 : i32
    %scan3A_5 = arith.addi %scan3A_3, %scan3A_4 : i32
    %scan3A_6 = arith.constant 1 : i32
    scf.for %scan3A_14 = %scan3A_3 to %scan3A_5 step %scan3A_6  : i32 {
      %mul3A_15 = arith.constant 10000 : i32
      %mul3A_16 = arith.muli %add3A, %mul3A_15 : i32
      %mul3A_17 = arith.constant 80 : i32
      %mul3A_18 = arith.muli %scan3A_14, %mul3A_17 : i32
      %add3A_19 = arith.addi %mul3A_16, %mul3A_18 : i32
      "tpu.region"() ({
        %run_scoped3A = tpu.sem_alloc : memref<!tpu.dma_semaphore, #tpu.memory_space<semaphore_mem>>
        %dma_start3A = tpu.memref_slice %arg2[%add3A_19] : memref<320000xi32, #tpu.memory_space<hbm>> -> memref<80xi32, #tpu.memory_space<hbm>>
        %dma_start3A_20 = tpu.memref_slice %arg2[%add3A_19] : memref<320000xi32, #tpu.memory_space<hbm>> -> memref<80xi32, #tpu.memory_space<hbm>>
        tpu.enqueue_dma source(%dma_start3A_20 : memref<80xi32, #tpu.memory_space<hbm>>) target(%arg6 : memref<80xi32, #tpu.memory_space<vmem>>) target_semaphore(%run_scoped3A : memref<!tpu.dma_semaphore, #tpu.memory_space<semaphore_mem>>)
        %dma_wait3A = tpu.memref_slice %arg2[%add3A_19] : memref<320000xi32, #tpu.memory_space<hbm>> -> memref<80xi32, #tpu.memory_space<hbm>>
        %dma_wait3A_21 = tpu.memref_slice %arg2[%add3A_19] : memref<320000xi32, #tpu.memory_space<hbm>> -> memref<80xi32, #tpu.memory_space<hbm>>
        tpu.wait_dma2 semaphore(%run_scoped3A : memref<!tpu.dma_semaphore, #tpu.memory_space<semaphore_mem>>) src(%dma_wait3A_21 : memref<80xi32, #tpu.memory_space<hbm>>) dst(%arg6 : memref<80xi32, #tpu.memory_space<vmem>>)
        tpu.yield
      }) : () -> ()
      "tpu.region"() ({
        %run_scoped3A = tpu.sem_alloc : memref<!tpu.dma_semaphore, #tpu.memory_space<semaphore_mem>>
        %dma_start3A = arith.constant 0 : i32
        %dma_start3A_20 = arith.constant 0 : i32
        %dma_start3A_21 = tpu.memref_slice %arg8[%dma_start3A, %dma_start3A_20] : memref<10000x128xf32, #tpu.memory_space<vmem_shared>> -> memref<10000x128xf32, #tpu.memory_space<vmem_shared>>
        tpu.enqueue_indirect_dma source(%arg7 : memref<80x128xf32, #tpu.memory_space<vmem>>) target(%dma_start3A_21 : memref<10000x128xf32, #tpu.memory_space<vmem_shared>>) offsets(%arg6 : memref<80xi32, #tpu.memory_space<vmem>>) semaphore(%run_scoped3A : memref<!tpu.dma_semaphore, #tpu.memory_space<semaphore_mem>>) {add = true}
        %dma_wait3A = arith.constant 0 : i32
        %dma_wait3A_22 = arith.constant 0 : i32
        %dma_wait3A_23 = tpu.memref_slice %arg8[%dma_wait3A, %dma_wait3A_22] : memref<10000x128xf32, #tpu.memory_space<vmem_shared>> -> memref<10000x128xf32, #tpu.memory_space<vmem_shared>>
        tpu.wait_indirect_dma semaphore(%run_scoped3A : memref<!tpu.dma_semaphore, #tpu.memory_space<semaphore_mem>>) src(%arg7 : memref<80x128xf32, #tpu.memory_space<vmem>>) dst(%dma_wait3A_23 : memref<10000x128xf32, #tpu.memory_space<vmem_shared>>)
        tpu.yield
      }) : () -> ()
    }
    %scan3A_7 = arith.constant 125 : i32
    %barrier3A_8 = arith.constant 0 : index
    tpu.barrier barrier_id(%barrier3A_8)
    %lt3A_9 = arith.constant 10 : i32
    %lt3A_10 = arith.cmpi slt, %arg1, %lt3A_9 : i32
    %convert_element_type3A_11 = arith.extui %lt3A_10 : i1 to i32
    %cond3A_12 = arith.constant 0 : i32
    %cond3A_13 = arith.cmpi ne, %convert_element_type3A_11, %cond3A_12 : i32
    scf.if %cond3A_13 {
      %mul3A_14 = arith.constant 1000 : i32
      %mul3A_15 = arith.muli %arg1, %mul3A_14 : i32
      %mul3A_16 = arith.constant 1000 : i32
      %mul3A_17 = arith.muli %arg1, %mul3A_16 : i32
      "tpu.region"() ({
        %run_scoped3A = tpu.sem_alloc : memref<!tpu.dma_semaphore, #tpu.memory_space<semaphore_mem>>
        %dma_start3A = arith.constant 0 : i32
        %dma_start3A_18 = tpu.memref_slice %arg5[%arg0, %mul3A_17, %dma_start3A] : memref<2x10000x128xf32, #tpu.memory_space<hbm>> -> memref<1x1000x128xf32, #tpu.memory_space<hbm>>
        %dma_start3A_19 = tpu.memref_squeeze %dma_start3A_18 : memref<1x1000x128xf32, #tpu.memory_space<hbm>> -> memref<1000x128xf32, #tpu.memory_space<hbm>>
        %dma_start3A_20 = arith.constant 0 : i32
        %dma_start3A_21 = tpu.memref_slice %arg8[%mul3A_15, %dma_start3A_20] : memref<10000x128xf32, #tpu.memory_space<vmem_shared>> -> memref<1000x128xf32, #tpu.memory_space<vmem_shared>>
        tpu.enqueue_dma source(%dma_start3A_21 : memref<1000x128xf32, #tpu.memory_space<vmem_shared>>) target(%dma_start3A_19 : memref<1000x128xf32, #tpu.memory_space<hbm>>) target_semaphore(%run_scoped3A : memref<!tpu.dma_semaphore, #tpu.memory_space<semaphore_mem>>)
        %dma_wait3A = arith.constant 0 : i32
        %dma_wait3A_22 = tpu.memref_slice %arg5[%arg0, %mul3A_17, %dma_wait3A] : memref<2x10000x128xf32, #tpu.memory_space<hbm>> -> memref<1x1000x128xf32, #tpu.memory_space<hbm>>
        %dma_wait3A_23 = tpu.memref_squeeze %dma_wait3A_22 : memref<1x1000x128xf32, #tpu.memory_space<hbm>> -> memref<1000x128xf32, #tpu.memory_space<hbm>>
        %dma_wait3A_24 = arith.constant 0 : i32
        %dma_wait3A_25 = tpu.memref_slice %arg8[%mul3A_15, %dma_wait3A_24] : memref<10000x128xf32, #tpu.memory_space<vmem_shared>> -> memref<1000x128xf32, #tpu.memory_space<vmem_shared>>
        tpu.wait_dma2 semaphore(%run_scoped3A : memref<!tpu.dma_semaphore, #tpu.memory_space<semaphore_mem>>) src(%dma_wait3A_25 : memref<1000x128xf32, #tpu.memory_space<vmem_shared>>) dst(%dma_wait3A_23 : memref<1000x128xf32, #tpu.memory_space<hbm>>)
        tpu.yield
      }) : () -> ()
    } else {
    }
    return
  }
}

#map = affine_map<(d0, d1) -> (0, 0)>
#map1 = affine_map<(d0, d1) -> (0)>
#map2 = affine_map<(d0, d1) -> (0, 0, 0)>
module attributes {stable_mosaic.version = 14 : i64} {
  func.func @_sc_scatter(%arg0: i32, %arg1: i32, %arg2: memref<10000x128xf32, #tpu.memory_space<hbm>>, %arg3: memref<320000xi32, #tpu.memory_space<hbm>>, %arg4: memref<320000xi32, #tpu.memory_space<hbm>>, %arg5: memref<1000x128xf32, #tpu.memory_space<hbm>>, %arg6: memref<2x10000x128xf32, #tpu.memory_space<hbm>>, %arg7: memref<2x128xi32, #tpu.memory_space<vmem>>, %arg8: memref<2x128xi32, #tpu.memory_space<vmem>>, %arg9: memref<2x128x128xf32, #tpu.memory_space<vmem>>, %arg10: memref<10000x128xf32, #tpu.memory_space<vmem_shared>>, %arg11: memref<!tpu.dma_semaphore, #tpu.memory_space<semaphore_mem>>, %arg12: memref<!tpu.dma_semaphore, #tpu.memory_space<semaphore_mem>>, %arg13: memref<!tpu.dma_semaphore, #tpu.memory_space<semaphore_mem>>, %arg14: memref<!tpu.dma_semaphore, #tpu.memory_space<semaphore_mem>>) attributes {dimension_semantics = [#tpu.dimension_semantics<core_parallel>, #tpu.dimension_semantics<subcore_parallel>], iteration_bounds = array<i64: 2, 16>, scalar_prefetch = 0 : i64, scratch_operands = 8 : i64, tpu.core_type = #tpu.core_type<sc_vector_subcore>, window_params = [{transform_indices = #map}, {transform_indices = #map1}, {transform_indices = #map1}, {transform_indices = #map}, {transform_indices = #map2}]} {
    %mul3A = arith.constant 16 : i32
    %mul3A_0 = arith.muli %arg0, %mul3A : i32
    %add3A = arith.addi %mul3A_0, %arg1 : i32
    %mul3A_1 = arith.constant 2500 : i32
    %mul3A_2 = arith.muli %add3A, %mul3A_1 : i32
    %jit3A = arith.constant 32 : i32
    %div3A = arith.divsi %mul3A_2, %jit3A : i32
    %sign3A = arith.constant 0 : i32
    %sign3A_3 = arith.cmpi sgt, %mul3A_2, %sign3A : i32
    %sign3A_4 = arith.extui %sign3A_3 : i1 to i32
    %sign3A_5 = arith.constant 0 : i32
    %sign3A_6 = arith.cmpi slt, %mul3A_2, %sign3A_5 : i32
    %sign3A_7 = arith.extui %sign3A_6 : i1 to i32
    %sign3A_8 = arith.subi %sign3A_4, %sign3A_7 : i32
    %sign3A_9 = arith.constant 0 : i32
    %sign3A_10 = arith.cmpi sgt, %jit3A, %sign3A_9 : i32
    %sign3A_11 = arith.extui %sign3A_10 : i1 to i32
    %sign3A_12 = arith.constant 0 : i32
    %sign3A_13 = arith.cmpi slt, %jit3A, %sign3A_12 : i32
    %sign3A_14 = arith.extui %sign3A_13 : i1 to i32
    %sign3A_15 = arith.subi %sign3A_11, %sign3A_14 : i32
    %ne3A = arith.cmpi ne, %sign3A_8, %sign3A_15 : i32
    %rem3A = arith.remsi %mul3A_2, %jit3A : i32
    %ne3A_16 = arith.constant 0 : i32
    %ne3A_17 = arith.cmpi ne, %rem3A, %ne3A_16 : i32
    %and3A = arith.andi %ne3A, %ne3A_17 : i1
    %sub3A = arith.constant 1 : i32
    %sub3A_18 = arith.subi %div3A, %sub3A : i32
    %select_n3A = arith.select %and3A, %sub3A_18, %div3A : i32
    %add3A_19 = arith.constant 1 : i32
    %add3A_20 = arith.addi %add3A, %add3A_19 : i32
    %mul3A_21 = arith.constant 2500 : i32
    %mul3A_22 = arith.muli %add3A_20, %mul3A_21 : i32
    %jit3A_23 = arith.constant 32 : i32
    %div3A_24 = arith.divsi %mul3A_22, %jit3A_23 : i32
    %sign3A_25 = arith.constant 0 : i32
    %sign3A_26 = arith.cmpi sgt, %mul3A_22, %sign3A_25 : i32
    %sign3A_27 = arith.extui %sign3A_26 : i1 to i32
    %sign3A_28 = arith.constant 0 : i32
    %sign3A_29 = arith.cmpi slt, %mul3A_22, %sign3A_28 : i32
    %sign3A_30 = arith.extui %sign3A_29 : i1 to i32
    %sign3A_31 = arith.subi %sign3A_27, %sign3A_30 : i32
    %sign3A_32 = arith.constant 0 : i32
    %sign3A_33 = arith.cmpi sgt, %jit3A_23, %sign3A_32 : i32
    %sign3A_34 = arith.extui %sign3A_33 : i1 to i32
    %sign3A_35 = arith.constant 0 : i32
    %sign3A_36 = arith.cmpi slt, %jit3A_23, %sign3A_35 : i32
    %sign3A_37 = arith.extui %sign3A_36 : i1 to i32
    %sign3A_38 = arith.subi %sign3A_34, %sign3A_37 : i32
    %ne3A_39 = arith.cmpi ne, %sign3A_31, %sign3A_38 : i32
    %rem3A_40 = arith.remsi %mul3A_22, %jit3A_23 : i32
    %ne3A_41 = arith.constant 0 : i32
    %ne3A_42 = arith.cmpi ne, %rem3A_40, %ne3A_41 : i32
    %and3A_43 = arith.andi %ne3A_39, %ne3A_42 : i1
    %sub3A_44 = arith.constant 1 : i32
    %sub3A_45 = arith.subi %div3A_24, %sub3A_44 : i32
    %select_n3A_46 = arith.select %and3A_43, %sub3A_45, %div3A_24 : i32
    %mul3A_47 = arith.constant 128 : i32
    %mul3A_48 = arith.muli %select_n3A, %mul3A_47 : i32
    %dma_start3A = arith.constant 0 : i32
    %dma_start3A_49 = arith.constant 0 : i32
    %dma_start3A_50 = tpu.memref_slice %arg7[%dma_start3A, %dma_start3A_49] : memref<2x128xi32, #tpu.memory_space<vmem>> -> memref<1x128xi32, #tpu.memory_space<vmem>>
    %dma_start3A_51 = tpu.memref_squeeze %dma_start3A_50 : memref<1x128xi32, #tpu.memory_space<vmem>> -> memref<128xi32, #tpu.memory_space<vmem>>
    %dma_start3A_52 = tpu.memref_slice %arg3[%mul3A_48] : memref<320000xi32, #tpu.memory_space<hbm>> -> memref<128xi32, #tpu.memory_space<hbm>>
    %dma_start3A_53 = arith.constant 0 : i32
    %dma_start3A_54 = tpu.memref_slice %arg7[%dma_start3A, %dma_start3A_53] : memref<2x128xi32, #tpu.memory_space<vmem>> -> memref<1x128xi32, #tpu.memory_space<vmem>>
    %dma_start3A_55 = tpu.memref_squeeze %dma_start3A_54 : memref<1x128xi32, #tpu.memory_space<vmem>> -> memref<128xi32, #tpu.memory_space<vmem>>
    %dma_start3A_56 = tpu.memref_slice %arg3[%mul3A_48] : memref<320000xi32, #tpu.memory_space<hbm>> -> memref<128xi32, #tpu.memory_space<hbm>>
    tpu.enqueue_dma source(%dma_start3A_56 : memref<128xi32, #tpu.memory_space<hbm>>) target(%dma_start3A_55 : memref<128xi32, #tpu.memory_space<vmem>>) target_semaphore(%arg11 : memref<!tpu.dma_semaphore, #tpu.memory_space<semaphore_mem>>)
    %mul3A_57 = arith.constant 128 : i32
    %mul3A_58 = arith.muli %select_n3A, %mul3A_57 : i32
    %dma_start3A_59 = arith.constant 0 : i32
    %dma_start3A_60 = arith.constant 0 : i32
    %dma_start3A_61 = tpu.memref_slice %arg8[%dma_start3A_59, %dma_start3A_60] : memref<2x128xi32, #tpu.memory_space<vmem>> -> memref<1x128xi32, #tpu.memory_space<vmem>>
    %dma_start3A_62 = tpu.memref_squeeze %dma_start3A_61 : memref<1x128xi32, #tpu.memory_space<vmem>> -> memref<128xi32, #tpu.memory_space<vmem>>
    %dma_start3A_63 = tpu.memref_slice %arg4[%mul3A_58] : memref<320000xi32, #tpu.memory_space<hbm>> -> memref<128xi32, #tpu.memory_space<hbm>>
    %dma_start3A_64 = arith.constant 0 : i32
    %dma_start3A_65 = tpu.memref_slice %arg8[%dma_start3A_59, %dma_start3A_64] : memref<2x128xi32, #tpu.memory_space<vmem>> -> memref<1x128xi32, #tpu.memory_space<vmem>>
    %dma_start3A_66 = tpu.memref_squeeze %dma_start3A_65 : memref<1x128xi32, #tpu.memory_space<vmem>> -> memref<128xi32, #tpu.memory_space<vmem>>
    %dma_start3A_67 = tpu.memref_slice %arg4[%mul3A_58] : memref<320000xi32, #tpu.memory_space<hbm>> -> memref<128xi32, #tpu.memory_space<hbm>>
    tpu.enqueue_dma source(%dma_start3A_67 : memref<128xi32, #tpu.memory_space<hbm>>) target(%dma_start3A_66 : memref<128xi32, #tpu.memory_space<vmem>>) target_semaphore(%arg12 : memref<!tpu.dma_semaphore, #tpu.memory_space<semaphore_mem>>)
    %lt3A = arith.constant 10 : i32
    %lt3A_68 = arith.cmpi slt, %arg1, %lt3A : i32
    %convert_element_type3A = arith.extui %lt3A_68 : i1 to i32
    %cond3A = arith.constant 0 : i32
    %cond3A_69 = arith.cmpi ne, %convert_element_type3A, %cond3A : i32
    scf.if %cond3A_69 {
      %mul3A_131 = arith.constant 1000 : i32
      %mul3A_132 = arith.muli %arg1, %mul3A_131 : i32
      "tpu.region"() ({
        %run_scoped3A = tpu.sem_alloc : memref<!tpu.dma_semaphore, #tpu.memory_space<semaphore_mem>>
        %dma_start3A_133 = arith.constant 0 : i32
        %dma_start3A_134 = tpu.memref_slice %arg10[%mul3A_132, %dma_start3A_133] : memref<10000x128xf32, #tpu.memory_space<vmem_shared>> -> memref<1000x128xf32, #tpu.memory_space<vmem_shared>>
        tpu.enqueue_dma source(%arg5 : memref<1000x128xf32, #tpu.memory_space<hbm>>) target(%dma_start3A_134 : memref<1000x128xf32, #tpu.memory_space<vmem_shared>>) target_semaphore(%run_scoped3A : memref<!tpu.dma_semaphore, #tpu.memory_space<semaphore_mem>>)
        %dma_wait3A_135 = arith.constant 0 : i32
        %dma_wait3A_136 = tpu.memref_slice %arg10[%mul3A_132, %dma_wait3A_135] : memref<10000x128xf32, #tpu.memory_space<vmem_shared>> -> memref<1000x128xf32, #tpu.memory_space<vmem_shared>>
        tpu.wait_dma2 semaphore(%run_scoped3A : memref<!tpu.dma_semaphore, #tpu.memory_space<semaphore_mem>>) src(%arg5 : memref<1000x128xf32, #tpu.memory_space<hbm>>) dst(%dma_wait3A_136 : memref<1000x128xf32, #tpu.memory_space<vmem_shared>>)
        tpu.yield
      }) : () -> ()
    } else {
    }
    %dma_wait3A = arith.constant 0 : i32
    %dma_wait3A_70 = arith.constant 0 : i32
    %dma_wait3A_71 = tpu.memref_slice %arg7[%dma_wait3A, %dma_wait3A_70] : memref<2x128xi32, #tpu.memory_space<vmem>> -> memref<1x128xi32, #tpu.memory_space<vmem>>
    %dma_wait3A_72 = tpu.memref_squeeze %dma_wait3A_71 : memref<1x128xi32, #tpu.memory_space<vmem>> -> memref<128xi32, #tpu.memory_space<vmem>>
    %dma_wait3A_73 = arith.constant 0 : i32
    %dma_wait3A_74 = tpu.memref_slice %arg3[%dma_wait3A_73] : memref<320000xi32, #tpu.memory_space<hbm>> -> memref<128xi32, #tpu.memory_space<hbm>>
    %dma_wait3A_75 = arith.constant 0 : i32
    %dma_wait3A_76 = tpu.memref_slice %arg7[%dma_wait3A, %dma_wait3A_75] : memref<2x128xi32, #tpu.memory_space<vmem>> -> memref<1x128xi32, #tpu.memory_space<vmem>>
    %dma_wait3A_77 = tpu.memref_squeeze %dma_wait3A_76 : memref<1x128xi32, #tpu.memory_space<vmem>> -> memref<128xi32, #tpu.memory_space<vmem>>
    %dma_wait3A_78 = arith.constant 0 : i32
    %dma_wait3A_79 = tpu.memref_slice %arg3[%dma_wait3A_78] : memref<320000xi32, #tpu.memory_space<hbm>> -> memref<128xi32, #tpu.memory_space<hbm>>
    tpu.wait_dma2 semaphore(%arg11 : memref<!tpu.dma_semaphore, #tpu.memory_space<semaphore_mem>>) src(%dma_wait3A_79 : memref<128xi32, #tpu.memory_space<hbm>>) dst(%dma_wait3A_77 : memref<128xi32, #tpu.memory_space<vmem>>)
    %dma_start3A_80 = arith.constant 0 : i32
    %dma_start3A_81 = arith.constant 0 : i32
    %dma_start3A_82 = arith.constant 0 : i32
    %dma_start3A_83 = arith.constant 0 : i32
    %dma_start3A_84 = tpu.memref_slice %arg9[%dma_start3A_81, %dma_start3A_82, %dma_start3A_83] : memref<2x128x128xf32, #tpu.memory_space<vmem>> -> memref<1x128x128xf32, #tpu.memory_space<vmem>>
    %dma_start3A_85 = tpu.memref_squeeze %dma_start3A_84 : memref<1x128x128xf32, #tpu.memory_space<vmem>> -> memref<128x128xf32, #tpu.memory_space<vmem>>
    %dma_start3A_86 = arith.constant 0 : i32
    %dma_start3A_87 = tpu.memref_slice %arg7[%dma_start3A_80, %dma_start3A_86] : memref<2x128xi32, #tpu.memory_space<vmem>> -> memref<1x128xi32, #tpu.memory_space<vmem>>
    %dma_start3A_88 = tpu.memref_squeeze %dma_start3A_87 : memref<1x128xi32, #tpu.memory_space<vmem>> -> memref<128xi32, #tpu.memory_space<vmem>>
    %dma_start3A_89 = arith.constant 0 : i32
    %dma_start3A_90 = arith.constant 0 : i32
    %dma_start3A_91 = tpu.memref_slice %arg2[%dma_start3A_89, %dma_start3A_90] : memref<10000x128xf32, #tpu.memory_space<hbm>> -> memref<10000x128xf32, #tpu.memory_space<hbm>>
    tpu.enqueue_indirect_dma source(%dma_start3A_91 : memref<10000x128xf32, #tpu.memory_space<hbm>>) target(%dma_start3A_85 : memref<128x128xf32, #tpu.memory_space<vmem>>) offsets(%dma_start3A_88 : memref<128xi32, #tpu.memory_space<vmem>>) semaphore(%arg13 : memref<!tpu.dma_semaphore, #tpu.memory_space<semaphore_mem>>)
    %add3A_92 = arith.constant 1 : i32
    %add3A_93 = arith.addi %select_n3A, %add3A_92 : i32
    %lt3A_94 = arith.cmpi slt, %add3A_93, %select_n3A_46 : i32
    %convert_element_type3A_95 = arith.extui %lt3A_94 : i1 to i32
    %cond3A_96 = arith.constant 0 : i32
    %cond3A_97 = arith.cmpi ne, %convert_element_type3A_95, %cond3A_96 : i32
    scf.if %cond3A_97 {
      %add3A_131 = arith.constant 1 : i32
      %add3A_132 = arith.addi %select_n3A, %add3A_131 : i32
      %mul3A_133 = arith.constant 128 : i32
      %mul3A_134 = arith.muli %add3A_132, %mul3A_133 : i32
      %dma_start3A_135 = arith.constant 1 : i32
      %dma_start3A_136 = arith.constant 0 : i32
      %dma_start3A_137 = tpu.memref_slice %arg7[%dma_start3A_135, %dma_start3A_136] : memref<2x128xi32, #tpu.memory_space<vmem>> -> memref<1x128xi32, #tpu.memory_space<vmem>>
      %dma_start3A_138 = tpu.memref_squeeze %dma_start3A_137 : memref<1x128xi32, #tpu.memory_space<vmem>> -> memref<128xi32, #tpu.memory_space<vmem>>
      %dma_start3A_139 = tpu.memref_slice %arg3[%mul3A_134] : memref<320000xi32, #tpu.memory_space<hbm>> -> memref<128xi32, #tpu.memory_space<hbm>>
      %dma_start3A_140 = arith.constant 0 : i32
      %dma_start3A_141 = tpu.memref_slice %arg7[%dma_start3A_135, %dma_start3A_140] : memref<2x128xi32, #tpu.memory_space<vmem>> -> memref<1x128xi32, #tpu.memory_space<vmem>>
      %dma_start3A_142 = tpu.memref_squeeze %dma_start3A_141 : memref<1x128xi32, #tpu.memory_space<vmem>> -> memref<128xi32, #tpu.memory_space<vmem>>
      %dma_start3A_143 = tpu.memref_slice %arg3[%mul3A_134] : memref<320000xi32, #tpu.memory_space<hbm>> -> memref<128xi32, #tpu.memory_space<hbm>>
      tpu.enqueue_dma source(%dma_start3A_143 : memref<128xi32, #tpu.memory_space<hbm>>) target(%dma_start3A_142 : memref<128xi32, #tpu.memory_space<vmem>>) target_semaphore(%arg11 : memref<!tpu.dma_semaphore, #tpu.memory_space<semaphore_mem>>)
    } else {
    }
    %barrier3A = arith.constant 0 : index
    tpu.barrier barrier_id(%barrier3A)
    %while3A = arith.constant 0 : i32
    %while3A_98 = arith.subi %select_n3A_46, %select_n3A : i32
    %while3A_99 = arith.addi %select_n3A, %while3A_98 : i32
    %while3A_100 = arith.constant 1 : i32
    %while3A_101 = arith.divsi %while3A_98, %while3A_100 : i32
    %while3A_102 = arith.muli %while3A_101, %while3A_100 : i32
    %while3A_103 = arith.addi %select_n3A, %while3A_102 : i32
    %while3A_104 = arith.constant 1 : i32
    scf.for %while3A_131 = %select_n3A to %while3A_103 step %while3A_104  : i32 {
      %sub3A_132 = arith.subi %while3A_131, %select_n3A : i32
      %rem3A_133 = arith.constant 2 : i32
      %rem3A_134 = arith.remsi %sub3A_132, %rem3A_133 : i32
      %dma_wait3A_135 = arith.constant 0 : i32
      %dma_wait3A_136 = arith.constant 0 : i32
      %dma_wait3A_137 = tpu.memref_slice %arg9[%rem3A_134, %dma_wait3A_135, %dma_wait3A_136] : memref<2x128x128xf32, #tpu.memory_space<vmem>> -> memref<1x128x128xf32, #tpu.memory_space<vmem>>
      %dma_wait3A_138 = tpu.memref_squeeze %dma_wait3A_137 : memref<1x128x128xf32, #tpu.memory_space<vmem>> -> memref<128x128xf32, #tpu.memory_space<vmem>>
      %dma_wait3A_139 = arith.constant 0 : i32
      %dma_wait3A_140 = arith.constant 0 : i32
      %dma_wait3A_141 = tpu.memref_slice %arg2[%dma_wait3A_139, %dma_wait3A_140] : memref<10000x128xf32, #tpu.memory_space<hbm>> -> memref<128x128xf32, #tpu.memory_space<hbm>>
      %dma_wait3A_142 = arith.constant 0 : i32
      %dma_wait3A_143 = arith.constant 0 : i32
      %dma_wait3A_144 = tpu.memref_slice %arg9[%rem3A_134, %dma_wait3A_142, %dma_wait3A_143] : memref<2x128x128xf32, #tpu.memory_space<vmem>> -> memref<1x128x128xf32, #tpu.memory_space<vmem>>
      %dma_wait3A_145 = tpu.memref_squeeze %dma_wait3A_144 : memref<1x128x128xf32, #tpu.memory_space<vmem>> -> memref<128x128xf32, #tpu.memory_space<vmem>>
      %dma_wait3A_146 = arith.constant 0 : i32
      %dma_wait3A_147 = arith.constant 0 : i32
      %dma_wait3A_148 = tpu.memref_slice %arg2[%dma_wait3A_146, %dma_wait3A_147] : memref<10000x128xf32, #tpu.memory_space<hbm>> -> memref<128x128xf32, #tpu.memory_space<hbm>>
      tpu.wait_dma2 semaphore(%arg13 : memref<!tpu.dma_semaphore, #tpu.memory_space<semaphore_mem>>) src(%dma_wait3A_148 : memref<128x128xf32, #tpu.memory_space<hbm>>) dst(%dma_wait3A_145 : memref<128x128xf32, #tpu.memory_space<vmem>>)
      %gt3A = arith.cmpi sgt, %while3A_131, %select_n3A : i32
      %convert_element_type3A_149 = arith.extui %gt3A : i1 to i32
      %cond3A_150 = arith.constant 0 : i32
      %cond3A_151 = arith.cmpi ne, %convert_element_type3A_149, %cond3A_150 : i32
      scf.if %cond3A_151 {
        %sub3A_184 = arith.constant 1 : i32
        %sub3A_185 = arith.subi %sub3A_184, %rem3A_134 : i32
        %dma_wait3A_186 = arith.constant 0 : i32
        %dma_wait3A_187 = arith.constant 0 : i32
        %dma_wait3A_188 = tpu.memref_slice %arg9[%sub3A_185, %dma_wait3A_186, %dma_wait3A_187] : memref<2x128x128xf32, #tpu.memory_space<vmem>> -> memref<1x128x128xf32, #tpu.memory_space<vmem>>
        %dma_wait3A_189 = tpu.memref_squeeze %dma_wait3A_188 : memref<1x128x128xf32, #tpu.memory_space<vmem>> -> memref<128x128xf32, #tpu.memory_space<vmem>>
        %dma_wait3A_190 = arith.constant 0 : i32
        %dma_wait3A_191 = arith.constant 0 : i32
        %dma_wait3A_192 = tpu.memref_slice %arg2[%dma_wait3A_190, %dma_wait3A_191] : memref<10000x128xf32, #tpu.memory_space<hbm>> -> memref<128x128xf32, #tpu.memory_space<hbm>>
        %dma_wait3A_193 = arith.constant 0 : i32
        %dma_wait3A_194 = arith.constant 0 : i32
        %dma_wait3A_195 = tpu.memref_slice %arg9[%sub3A_185, %dma_wait3A_193, %dma_wait3A_194] : memref<2x128x128xf32, #tpu.memory_space<vmem>> -> memref<1x128x128xf32, #tpu.memory_space<vmem>>
        %dma_wait3A_196 = tpu.memref_squeeze %dma_wait3A_195 : memref<1x128x128xf32, #tpu.memory_space<vmem>> -> memref<128x128xf32, #tpu.memory_space<vmem>>
        %dma_wait3A_197 = arith.constant 0 : i32
        %dma_wait3A_198 = arith.constant 0 : i32
        %dma_wait3A_199 = tpu.memref_slice %arg2[%dma_wait3A_197, %dma_wait3A_198] : memref<10000x128xf32, #tpu.memory_space<hbm>> -> memref<128x128xf32, #tpu.memory_space<hbm>>
        tpu.wait_dma2 semaphore(%arg14 : memref<!tpu.dma_semaphore, #tpu.memory_space<semaphore_mem>>) src(%dma_wait3A_199 : memref<128x128xf32, #tpu.memory_space<hbm>>) dst(%dma_wait3A_196 : memref<128x128xf32, #tpu.memory_space<vmem>>)
      } else {
      }
      %dma_wait3A_152 = arith.constant 0 : i32
      %dma_wait3A_153 = tpu.memref_slice %arg7[%rem3A_134, %dma_wait3A_152] : memref<2x128xi32, #tpu.memory_space<vmem>> -> memref<1x128xi32, #tpu.memory_space<vmem>>
      %dma_wait3A_154 = tpu.memref_squeeze %dma_wait3A_153 : memref<1x128xi32, #tpu.memory_space<vmem>> -> memref<128xi32, #tpu.memory_space<vmem>>
      %dma_wait3A_155 = arith.constant 0 : i32
      %dma_wait3A_156 = tpu.memref_slice %arg3[%dma_wait3A_155] : memref<320000xi32, #tpu.memory_space<hbm>> -> memref<128xi32, #tpu.memory_space<hbm>>
      %dma_wait3A_157 = arith.constant 0 : i32
      %dma_wait3A_158 = tpu.memref_slice %arg7[%rem3A_134, %dma_wait3A_157] : memref<2x128xi32, #tpu.memory_space<vmem>> -> memref<1x128xi32, #tpu.memory_space<vmem>>
      %dma_wait3A_159 = tpu.memref_squeeze %dma_wait3A_158 : memref<1x128xi32, #tpu.memory_space<vmem>> -> memref<128xi32, #tpu.memory_space<vmem>>
      %dma_wait3A_160 = arith.constant 0 : i32
      %dma_wait3A_161 = tpu.memref_slice %arg3[%dma_wait3A_160] : memref<320000xi32, #tpu.memory_space<hbm>> -> memref<128xi32, #tpu.memory_space<hbm>>
      tpu.wait_dma2 semaphore(%arg12 : memref<!tpu.dma_semaphore, #tpu.memory_space<semaphore_mem>>) src(%dma_wait3A_161 : memref<128xi32, #tpu.memory_space<hbm>>) dst(%dma_wait3A_159 : memref<128xi32, #tpu.memory_space<vmem>>)
      %dma_start3A_162 = arith.constant 0 : i32
      %dma_start3A_163 = arith.constant 0 : i32
      %dma_start3A_164 = tpu.memref_slice %arg9[%rem3A_134, %dma_start3A_162, %dma_start3A_163] : memref<2x128x128xf32, #tpu.memory_space<vmem>> -> memref<1x128x128xf32, #tpu.memory_space<vmem>>
      %dma_start3A_165 = tpu.memref_squeeze %dma_start3A_164 : memref<1x128x128xf32, #tpu.memory_space<vmem>> -> memref<128x128xf32, #tpu.memory_space<vmem>>
      %dma_start3A_166 = arith.constant 0 : i32
      %dma_start3A_167 = tpu.memref_slice %arg8[%rem3A_134, %dma_start3A_166] : memref<2x128xi32, #tpu.memory_space<vmem>> -> memref<1x128xi32, #tpu.memory_space<vmem>>
      %dma_start3A_168 = tpu.memref_squeeze %dma_start3A_167 : memref<1x128xi32, #tpu.memory_space<vmem>> -> memref<128xi32, #tpu.memory_space<vmem>>
      %dma_start3A_169 = arith.constant 0 : i32
      %dma_start3A_170 = arith.constant 0 : i32
      %dma_start3A_171 = tpu.memref_slice %arg10[%dma_start3A_169, %dma_start3A_170] : memref<10000x128xf32, #tpu.memory_space<vmem_shared>> -> memref<10000x128xf32, #tpu.memory_space<vmem_shared>>
      tpu.enqueue_indirect_dma source(%dma_start3A_165 : memref<128x128xf32, #tpu.memory_space<vmem>>) target(%dma_start3A_171 : memref<10000x128xf32, #tpu.memory_space<vmem_shared>>) offsets(%dma_start3A_168 : memref<128xi32, #tpu.memory_space<vmem>>) semaphore(%arg14 : memref<!tpu.dma_semaphore, #tpu.memory_space<semaphore_mem>>) {add = true}
      %add3A_172 = arith.constant 1 : i32
      %add3A_173 = arith.addi %while3A_131, %add3A_172 : i32
      %lt3A_174 = arith.cmpi slt, %add3A_173, %select_n3A_46 : i32
      %convert_element_type3A_175 = arith.extui %lt3A_174 : i1 to i32
      %cond3A_176 = arith.constant 0 : i32
      %cond3A_177 = arith.cmpi ne, %convert_element_type3A_175, %cond3A_176 : i32
      scf.if %cond3A_177 {
        %add3A_184 = arith.constant 1 : i32
        %add3A_185 = arith.addi %while3A_131, %add3A_184 : i32
        %sub3A_186 = arith.constant 1 : i32
        %sub3A_187 = arith.subi %sub3A_186, %rem3A_134 : i32
        %mul3A_188 = arith.constant 128 : i32
        %mul3A_189 = arith.muli %add3A_185, %mul3A_188 : i32
        %dma_start3A_190 = arith.constant 0 : i32
        %dma_start3A_191 = tpu.memref_slice %arg8[%sub3A_187, %dma_start3A_190] : memref<2x128xi32, #tpu.memory_space<vmem>> -> memref<1x128xi32, #tpu.memory_space<vmem>>
        %dma_start3A_192 = tpu.memref_squeeze %dma_start3A_191 : memref<1x128xi32, #tpu.memory_space<vmem>> -> memref<128xi32, #tpu.memory_space<vmem>>
        %dma_start3A_193 = tpu.memref_slice %arg4[%mul3A_189] : memref<320000xi32, #tpu.memory_space<hbm>> -> memref<128xi32, #tpu.memory_space<hbm>>
        %dma_start3A_194 = arith.constant 0 : i32
        %dma_start3A_195 = tpu.memref_slice %arg8[%sub3A_187, %dma_start3A_194] : memref<2x128xi32, #tpu.memory_space<vmem>> -> memref<1x128xi32, #tpu.memory_space<vmem>>
        %dma_start3A_196 = tpu.memref_squeeze %dma_start3A_195 : memref<1x128xi32, #tpu.memory_space<vmem>> -> memref<128xi32, #tpu.memory_space<vmem>>
        %dma_start3A_197 = tpu.memref_slice %arg4[%mul3A_189] : memref<320000xi32, #tpu.memory_space<hbm>> -> memref<128xi32, #tpu.memory_space<hbm>>
        tpu.enqueue_dma source(%dma_start3A_197 : memref<128xi32, #tpu.memory_space<hbm>>) target(%dma_start3A_196 : memref<128xi32, #tpu.memory_space<vmem>>) target_semaphore(%arg12 : memref<!tpu.dma_semaphore, #tpu.memory_space<semaphore_mem>>)
        %sub3A_198 = arith.constant 1 : i32
        %sub3A_199 = arith.subi %sub3A_198, %rem3A_134 : i32
        %dma_wait3A_200 = arith.constant 0 : i32
        %dma_wait3A_201 = tpu.memref_slice %arg7[%sub3A_199, %dma_wait3A_200] : memref<2x128xi32, #tpu.memory_space<vmem>> -> memref<1x128xi32, #tpu.memory_space<vmem>>
        %dma_wait3A_202 = tpu.memref_squeeze %dma_wait3A_201 : memref<1x128xi32, #tpu.memory_space<vmem>> -> memref<128xi32, #tpu.memory_space<vmem>>
        %dma_wait3A_203 = arith.constant 0 : i32
        %dma_wait3A_204 = tpu.memref_slice %arg3[%dma_wait3A_203] : memref<320000xi32, #tpu.memory_space<hbm>> -> memref<128xi32, #tpu.memory_space<hbm>>
        %dma_wait3A_205 = arith.constant 0 : i32
        %dma_wait3A_206 = tpu.memref_slice %arg7[%sub3A_199, %dma_wait3A_205] : memref<2x128xi32, #tpu.memory_space<vmem>> -> memref<1x128xi32, #tpu.memory_space<vmem>>
        %dma_wait3A_207 = tpu.memref_squeeze %dma_wait3A_206 : memref<1x128xi32, #tpu.memory_space<vmem>> -> memref<128xi32, #tpu.memory_space<vmem>>
        %dma_wait3A_208 = arith.constant 0 : i32
        %dma_wait3A_209 = tpu.memref_slice %arg3[%dma_wait3A_208] : memref<320000xi32, #tpu.memory_space<hbm>> -> memref<128xi32, #tpu.memory_space<hbm>>
        tpu.wait_dma2 semaphore(%arg11 : memref<!tpu.dma_semaphore, #tpu.memory_space<semaphore_mem>>) src(%dma_wait3A_209 : memref<128xi32, #tpu.memory_space<hbm>>) dst(%dma_wait3A_207 : memref<128xi32, #tpu.memory_space<vmem>>)
        %sub3A_210 = arith.constant 1 : i32
        %sub3A_211 = arith.subi %sub3A_210, %rem3A_134 : i32
        %sub3A_212 = arith.constant 1 : i32
        %sub3A_213 = arith.subi %sub3A_212, %rem3A_134 : i32
        %dma_start3A_214 = arith.constant 0 : i32
        %dma_start3A_215 = arith.constant 0 : i32
        %dma_start3A_216 = tpu.memref_slice %arg9[%sub3A_213, %dma_start3A_214, %dma_start3A_215] : memref<2x128x128xf32, #tpu.memory_space<vmem>> -> memref<1x128x128xf32, #tpu.memory_space<vmem>>
        %dma_start3A_217 = tpu.memref_squeeze %dma_start3A_216 : memref<1x128x128xf32, #tpu.memory_space<vmem>> -> memref<128x128xf32, #tpu.memory_space<vmem>>
        %dma_start3A_218 = arith.constant 0 : i32
        %dma_start3A_219 = tpu.memref_slice %arg7[%sub3A_211, %dma_start3A_218] : memref<2x128xi32, #tpu.memory_space<vmem>> -> memref<1x128xi32, #tpu.memory_space<vmem>>
        %dma_start3A_220 = tpu.memref_squeeze %dma_start3A_219 : memref<1x128xi32, #tpu.memory_space<vmem>> -> memref<128xi32, #tpu.memory_space<vmem>>
        %dma_start3A_221 = arith.constant 0 : i32
        %dma_start3A_222 = arith.constant 0 : i32
        %dma_start3A_223 = tpu.memref_slice %arg2[%dma_start3A_221, %dma_start3A_222] : memref<10000x128xf32, #tpu.memory_space<hbm>> -> memref<10000x128xf32, #tpu.memory_space<hbm>>
        tpu.enqueue_indirect_dma source(%dma_start3A_223 : memref<10000x128xf32, #tpu.memory_space<hbm>>) target(%dma_start3A_217 : memref<128x128xf32, #tpu.memory_space<vmem>>) offsets(%dma_start3A_220 : memref<128xi32, #tpu.memory_space<vmem>>) semaphore(%arg13 : memref<!tpu.dma_semaphore, #tpu.memory_space<semaphore_mem>>)
      } else {
      }
      %add3A_178 = arith.constant 2 : i32
      %add3A_179 = arith.addi %while3A_131, %add3A_178 : i32
      %lt3A_180 = arith.cmpi slt, %add3A_179, %select_n3A_46 : i32
      %convert_element_type3A_181 = arith.extui %lt3A_180 : i1 to i32
      %cond3A_182 = arith.constant 0 : i32
      %cond3A_183 = arith.cmpi ne, %convert_element_type3A_181, %cond3A_182 : i32
      scf.if %cond3A_183 {
        %add3A_184 = arith.constant 2 : i32
        %add3A_185 = arith.addi %while3A_131, %add3A_184 : i32
        %mul3A_186 = arith.constant 128 : i32
        %mul3A_187 = arith.muli %add3A_185, %mul3A_186 : i32
        %dma_start3A_188 = arith.constant 0 : i32
        %dma_start3A_189 = tpu.memref_slice %arg7[%rem3A_134, %dma_start3A_188] : memref<2x128xi32, #tpu.memory_space<vmem>> -> memref<1x128xi32, #tpu.memory_space<vmem>>
        %dma_start3A_190 = tpu.memref_squeeze %dma_start3A_189 : memref<1x128xi32, #tpu.memory_space<vmem>> -> memref<128xi32, #tpu.memory_space<vmem>>
        %dma_start3A_191 = tpu.memref_slice %arg3[%mul3A_187] : memref<320000xi32, #tpu.memory_space<hbm>> -> memref<128xi32, #tpu.memory_space<hbm>>
        %dma_start3A_192 = arith.constant 0 : i32
        %dma_start3A_193 = tpu.memref_slice %arg7[%rem3A_134, %dma_start3A_192] : memref<2x128xi32, #tpu.memory_space<vmem>> -> memref<1x128xi32, #tpu.memory_space<vmem>>
        %dma_start3A_194 = tpu.memref_squeeze %dma_start3A_193 : memref<1x128xi32, #tpu.memory_space<vmem>> -> memref<128xi32, #tpu.memory_space<vmem>>
        %dma_start3A_195 = tpu.memref_slice %arg3[%mul3A_187] : memref<320000xi32, #tpu.memory_space<hbm>> -> memref<128xi32, #tpu.memory_space<hbm>>
        tpu.enqueue_dma source(%dma_start3A_195 : memref<128xi32, #tpu.memory_space<hbm>>) target(%dma_start3A_194 : memref<128xi32, #tpu.memory_space<vmem>>) target_semaphore(%arg11 : memref<!tpu.dma_semaphore, #tpu.memory_space<semaphore_mem>>)
      } else {
      }
    }
    %while3A_105 = arith.constant 1 : i32
    scf.for %while3A_131 = %while3A_103 to %while3A_99 step %while3A_105  : i32 {
      %sub3A_132 = arith.subi %while3A_131, %select_n3A : i32
      %rem3A_133 = arith.constant 2 : i32
      %rem3A_134 = arith.remsi %sub3A_132, %rem3A_133 : i32
      %dma_wait3A_135 = arith.constant 0 : i32
      %dma_wait3A_136 = arith.constant 0 : i32
      %dma_wait3A_137 = tpu.memref_slice %arg9[%rem3A_134, %dma_wait3A_135, %dma_wait3A_136] : memref<2x128x128xf32, #tpu.memory_space<vmem>> -> memref<1x128x128xf32, #tpu.memory_space<vmem>>
      %dma_wait3A_138 = tpu.memref_squeeze %dma_wait3A_137 : memref<1x128x128xf32, #tpu.memory_space<vmem>> -> memref<128x128xf32, #tpu.memory_space<vmem>>
      %dma_wait3A_139 = arith.constant 0 : i32
      %dma_wait3A_140 = arith.constant 0 : i32
      %dma_wait3A_141 = tpu.memref_slice %arg2[%dma_wait3A_139, %dma_wait3A_140] : memref<10000x128xf32, #tpu.memory_space<hbm>> -> memref<128x128xf32, #tpu.memory_space<hbm>>
      %dma_wait3A_142 = arith.constant 0 : i32
      %dma_wait3A_143 = arith.constant 0 : i32
      %dma_wait3A_144 = tpu.memref_slice %arg9[%rem3A_134, %dma_wait3A_142, %dma_wait3A_143] : memref<2x128x128xf32, #tpu.memory_space<vmem>> -> memref<1x128x128xf32, #tpu.memory_space<vmem>>
      %dma_wait3A_145 = tpu.memref_squeeze %dma_wait3A_144 : memref<1x128x128xf32, #tpu.memory_space<vmem>> -> memref<128x128xf32, #tpu.memory_space<vmem>>
      %dma_wait3A_146 = arith.constant 0 : i32
      %dma_wait3A_147 = arith.constant 0 : i32
      %dma_wait3A_148 = tpu.memref_slice %arg2[%dma_wait3A_146, %dma_wait3A_147] : memref<10000x128xf32, #tpu.memory_space<hbm>> -> memref<128x128xf32, #tpu.memory_space<hbm>>
      tpu.wait_dma2 semaphore(%arg13 : memref<!tpu.dma_semaphore, #tpu.memory_space<semaphore_mem>>) src(%dma_wait3A_148 : memref<128x128xf32, #tpu.memory_space<hbm>>) dst(%dma_wait3A_145 : memref<128x128xf32, #tpu.memory_space<vmem>>)
      %gt3A = arith.cmpi sgt, %while3A_131, %select_n3A : i32
      %convert_element_type3A_149 = arith.extui %gt3A : i1 to i32
      %cond3A_150 = arith.constant 0 : i32
      %cond3A_151 = arith.cmpi ne, %convert_element_type3A_149, %cond3A_150 : i32
      scf.if %cond3A_151 {
        %sub3A_184 = arith.constant 1 : i32
        %sub3A_185 = arith.subi %sub3A_184, %rem3A_134 : i32
        %dma_wait3A_186 = arith.constant 0 : i32
        %dma_wait3A_187 = arith.constant 0 : i32
        %dma_wait3A_188 = tpu.memref_slice %arg9[%sub3A_185, %dma_wait3A_186, %dma_wait3A_187] : memref<2x128x128xf32, #tpu.memory_space<vmem>> -> memref<1x128x128xf32, #tpu.memory_space<vmem>>
        %dma_wait3A_189 = tpu.memref_squeeze %dma_wait3A_188 : memref<1x128x128xf32, #tpu.memory_space<vmem>> -> memref<128x128xf32, #tpu.memory_space<vmem>>
        %dma_wait3A_190 = arith.constant 0 : i32
        %dma_wait3A_191 = arith.constant 0 : i32
        %dma_wait3A_192 = tpu.memref_slice %arg2[%dma_wait3A_190, %dma_wait3A_191] : memref<10000x128xf32, #tpu.memory_space<hbm>> -> memref<128x128xf32, #tpu.memory_space<hbm>>
        %dma_wait3A_193 = arith.constant 0 : i32
        %dma_wait3A_194 = arith.constant 0 : i32
        %dma_wait3A_195 = tpu.memref_slice %arg9[%sub3A_185, %dma_wait3A_193, %dma_wait3A_194] : memref<2x128x128xf32, #tpu.memory_space<vmem>> -> memref<1x128x128xf32, #tpu.memory_space<vmem>>
        %dma_wait3A_196 = tpu.memref_squeeze %dma_wait3A_195 : memref<1x128x128xf32, #tpu.memory_space<vmem>> -> memref<128x128xf32, #tpu.memory_space<vmem>>
        %dma_wait3A_197 = arith.constant 0 : i32
        %dma_wait3A_198 = arith.constant 0 : i32
        %dma_wait3A_199 = tpu.memref_slice %arg2[%dma_wait3A_197, %dma_wait3A_198] : memref<10000x128xf32, #tpu.memory_space<hbm>> -> memref<128x128xf32, #tpu.memory_space<hbm>>
        tpu.wait_dma2 semaphore(%arg14 : memref<!tpu.dma_semaphore, #tpu.memory_space<semaphore_mem>>) src(%dma_wait3A_199 : memref<128x128xf32, #tpu.memory_space<hbm>>) dst(%dma_wait3A_196 : memref<128x128xf32, #tpu.memory_space<vmem>>)
      } else {
      }
      %dma_wait3A_152 = arith.constant 0 : i32
      %dma_wait3A_153 = tpu.memref_slice %arg7[%rem3A_134, %dma_wait3A_152] : memref<2x128xi32, #tpu.memory_space<vmem>> -> memref<1x128xi32, #tpu.memory_space<vmem>>
      %dma_wait3A_154 = tpu.memref_squeeze %dma_wait3A_153 : memref<1x128xi32, #tpu.memory_space<vmem>> -> memref<128xi32, #tpu.memory_space<vmem>>
      %dma_wait3A_155 = arith.constant 0 : i32
      %dma_wait3A_156 = tpu.memref_slice %arg3[%dma_wait3A_155] : memref<320000xi32, #tpu.memory_space<hbm>> -> memref<128xi32, #tpu.memory_space<hbm>>
      %dma_wait3A_157 = arith.constant 0 : i32
      %dma_wait3A_158 = tpu.memref_slice %arg7[%rem3A_134, %dma_wait3A_157] : memref<2x128xi32, #tpu.memory_space<vmem>> -> memref<1x128xi32, #tpu.memory_space<vmem>>
      %dma_wait3A_159 = tpu.memref_squeeze %dma_wait3A_158 : memref<1x128xi32, #tpu.memory_space<vmem>> -> memref<128xi32, #tpu.memory_space<vmem>>
      %dma_wait3A_160 = arith.constant 0 : i32
      %dma_wait3A_161 = tpu.memref_slice %arg3[%dma_wait3A_160] : memref<320000xi32, #tpu.memory_space<hbm>> -> memref<128xi32, #tpu.memory_space<hbm>>
      tpu.wait_dma2 semaphore(%arg12 : memref<!tpu.dma_semaphore, #tpu.memory_space<semaphore_mem>>) src(%dma_wait3A_161 : memref<128xi32, #tpu.memory_space<hbm>>) dst(%dma_wait3A_159 : memref<128xi32, #tpu.memory_space<vmem>>)
      %dma_start3A_162 = arith.constant 0 : i32
      %dma_start3A_163 = arith.constant 0 : i32
      %dma_start3A_164 = tpu.memref_slice %arg9[%rem3A_134, %dma_start3A_162, %dma_start3A_163] : memref<2x128x128xf32, #tpu.memory_space<vmem>> -> memref<1x128x128xf32, #tpu.memory_space<vmem>>
      %dma_start3A_165 = tpu.memref_squeeze %dma_start3A_164 : memref<1x128x128xf32, #tpu.memory_space<vmem>> -> memref<128x128xf32, #tpu.memory_space<vmem>>
      %dma_start3A_166 = arith.constant 0 : i32
      %dma_start3A_167 = tpu.memref_slice %arg8[%rem3A_134, %dma_start3A_166] : memref<2x128xi32, #tpu.memory_space<vmem>> -> memref<1x128xi32, #tpu.memory_space<vmem>>
      %dma_start3A_168 = tpu.memref_squeeze %dma_start3A_167 : memref<1x128xi32, #tpu.memory_space<vmem>> -> memref<128xi32, #tpu.memory_space<vmem>>
      %dma_start3A_169 = arith.constant 0 : i32
      %dma_start3A_170 = arith.constant 0 : i32
      %dma_start3A_171 = tpu.memref_slice %arg10[%dma_start3A_169, %dma_start3A_170] : memref<10000x128xf32, #tpu.memory_space<vmem_shared>> -> memref<10000x128xf32, #tpu.memory_space<vmem_shared>>
      tpu.enqueue_indirect_dma source(%dma_start3A_165 : memref<128x128xf32, #tpu.memory_space<vmem>>) target(%dma_start3A_171 : memref<10000x128xf32, #tpu.memory_space<vmem_shared>>) offsets(%dma_start3A_168 : memref<128xi32, #tpu.memory_space<vmem>>) semaphore(%arg14 : memref<!tpu.dma_semaphore, #tpu.memory_space<semaphore_mem>>) {add = true}
      %add3A_172 = arith.constant 1 : i32
      %add3A_173 = arith.addi %while3A_131, %add3A_172 : i32
      %lt3A_174 = arith.cmpi slt, %add3A_173, %select_n3A_46 : i32
      %convert_element_type3A_175 = arith.extui %lt3A_174 : i1 to i32
      %cond3A_176 = arith.constant 0 : i32
      %cond3A_177 = arith.cmpi ne, %convert_element_type3A_175, %cond3A_176 : i32
      scf.if %cond3A_177 {
        %add3A_184 = arith.constant 1 : i32
        %add3A_185 = arith.addi %while3A_131, %add3A_184 : i32
        %sub3A_186 = arith.constant 1 : i32
        %sub3A_187 = arith.subi %sub3A_186, %rem3A_134 : i32
        %mul3A_188 = arith.constant 128 : i32
        %mul3A_189 = arith.muli %add3A_185, %mul3A_188 : i32
        %dma_start3A_190 = arith.constant 0 : i32
        %dma_start3A_191 = tpu.memref_slice %arg8[%sub3A_187, %dma_start3A_190] : memref<2x128xi32, #tpu.memory_space<vmem>> -> memref<1x128xi32, #tpu.memory_space<vmem>>
        %dma_start3A_192 = tpu.memref_squeeze %dma_start3A_191 : memref<1x128xi32, #tpu.memory_space<vmem>> -> memref<128xi32, #tpu.memory_space<vmem>>
        %dma_start3A_193 = tpu.memref_slice %arg4[%mul3A_189] : memref<320000xi32, #tpu.memory_space<hbm>> -> memref<128xi32, #tpu.memory_space<hbm>>
        %dma_start3A_194 = arith.constant 0 : i32
        %dma_start3A_195 = tpu.memref_slice %arg8[%sub3A_187, %dma_start3A_194] : memref<2x128xi32, #tpu.memory_space<vmem>> -> memref<1x128xi32, #tpu.memory_space<vmem>>
        %dma_start3A_196 = tpu.memref_squeeze %dma_start3A_195 : memref<1x128xi32, #tpu.memory_space<vmem>> -> memref<128xi32, #tpu.memory_space<vmem>>
        %dma_start3A_197 = tpu.memref_slice %arg4[%mul3A_189] : memref<320000xi32, #tpu.memory_space<hbm>> -> memref<128xi32, #tpu.memory_space<hbm>>
        tpu.enqueue_dma source(%dma_start3A_197 : memref<128xi32, #tpu.memory_space<hbm>>) target(%dma_start3A_196 : memref<128xi32, #tpu.memory_space<vmem>>) target_semaphore(%arg12 : memref<!tpu.dma_semaphore, #tpu.memory_space<semaphore_mem>>)
        %sub3A_198 = arith.constant 1 : i32
        %sub3A_199 = arith.subi %sub3A_198, %rem3A_134 : i32
        %dma_wait3A_200 = arith.constant 0 : i32
        %dma_wait3A_201 = tpu.memref_slice %arg7[%sub3A_199, %dma_wait3A_200] : memref<2x128xi32, #tpu.memory_space<vmem>> -> memref<1x128xi32, #tpu.memory_space<vmem>>
        %dma_wait3A_202 = tpu.memref_squeeze %dma_wait3A_201 : memref<1x128xi32, #tpu.memory_space<vmem>> -> memref<128xi32, #tpu.memory_space<vmem>>
        %dma_wait3A_203 = arith.constant 0 : i32
        %dma_wait3A_204 = tpu.memref_slice %arg3[%dma_wait3A_203] : memref<320000xi32, #tpu.memory_space<hbm>> -> memref<128xi32, #tpu.memory_space<hbm>>
        %dma_wait3A_205 = arith.constant 0 : i32
        %dma_wait3A_206 = tpu.memref_slice %arg7[%sub3A_199, %dma_wait3A_205] : memref<2x128xi32, #tpu.memory_space<vmem>> -> memref<1x128xi32, #tpu.memory_space<vmem>>
        %dma_wait3A_207 = tpu.memref_squeeze %dma_wait3A_206 : memref<1x128xi32, #tpu.memory_space<vmem>> -> memref<128xi32, #tpu.memory_space<vmem>>
        %dma_wait3A_208 = arith.constant 0 : i32
        %dma_wait3A_209 = tpu.memref_slice %arg3[%dma_wait3A_208] : memref<320000xi32, #tpu.memory_space<hbm>> -> memref<128xi32, #tpu.memory_space<hbm>>
        tpu.wait_dma2 semaphore(%arg11 : memref<!tpu.dma_semaphore, #tpu.memory_space<semaphore_mem>>) src(%dma_wait3A_209 : memref<128xi32, #tpu.memory_space<hbm>>) dst(%dma_wait3A_207 : memref<128xi32, #tpu.memory_space<vmem>>)
        %sub3A_210 = arith.constant 1 : i32
        %sub3A_211 = arith.subi %sub3A_210, %rem3A_134 : i32
        %sub3A_212 = arith.constant 1 : i32
        %sub3A_213 = arith.subi %sub3A_212, %rem3A_134 : i32
        %dma_start3A_214 = arith.constant 0 : i32
        %dma_start3A_215 = arith.constant 0 : i32
        %dma_start3A_216 = tpu.memref_slice %arg9[%sub3A_213, %dma_start3A_214, %dma_start3A_215] : memref<2x128x128xf32, #tpu.memory_space<vmem>> -> memref<1x128x128xf32, #tpu.memory_space<vmem>>
        %dma_start3A_217 = tpu.memref_squeeze %dma_start3A_216 : memref<1x128x128xf32, #tpu.memory_space<vmem>> -> memref<128x128xf32, #tpu.memory_space<vmem>>
        %dma_start3A_218 = arith.constant 0 : i32
        %dma_start3A_219 = tpu.memref_slice %arg7[%sub3A_211, %dma_start3A_218] : memref<2x128xi32, #tpu.memory_space<vmem>> -> memref<1x128xi32, #tpu.memory_space<vmem>>
        %dma_start3A_220 = tpu.memref_squeeze %dma_start3A_219 : memref<1x128xi32, #tpu.memory_space<vmem>> -> memref<128xi32, #tpu.memory_space<vmem>>
        %dma_start3A_221 = arith.constant 0 : i32
        %dma_start3A_222 = arith.constant 0 : i32
        %dma_start3A_223 = tpu.memref_slice %arg2[%dma_start3A_221, %dma_start3A_222] : memref<10000x128xf32, #tpu.memory_space<hbm>> -> memref<10000x128xf32, #tpu.memory_space<hbm>>
        tpu.enqueue_indirect_dma source(%dma_start3A_223 : memref<10000x128xf32, #tpu.memory_space<hbm>>) target(%dma_start3A_217 : memref<128x128xf32, #tpu.memory_space<vmem>>) offsets(%dma_start3A_220 : memref<128xi32, #tpu.memory_space<vmem>>) semaphore(%arg13 : memref<!tpu.dma_semaphore, #tpu.memory_space<semaphore_mem>>)
      } else {
      }
      %add3A_178 = arith.constant 2 : i32
      %add3A_179 = arith.addi %while3A_131, %add3A_178 : i32
      %lt3A_180 = arith.cmpi slt, %add3A_179, %select_n3A_46 : i32
      %convert_element_type3A_181 = arith.extui %lt3A_180 : i1 to i32
      %cond3A_182 = arith.constant 0 : i32
      %cond3A_183 = arith.cmpi ne, %convert_element_type3A_181, %cond3A_182 : i32
      scf.if %cond3A_183 {
        %add3A_184 = arith.constant 2 : i32
        %add3A_185 = arith.addi %while3A_131, %add3A_184 : i32
        %mul3A_186 = arith.constant 128 : i32
        %mul3A_187 = arith.muli %add3A_185, %mul3A_186 : i32
        %dma_start3A_188 = arith.constant 0 : i32
        %dma_start3A_189 = tpu.memref_slice %arg7[%rem3A_134, %dma_start3A_188] : memref<2x128xi32, #tpu.memory_space<vmem>> -> memref<1x128xi32, #tpu.memory_space<vmem>>
        %dma_start3A_190 = tpu.memref_squeeze %dma_start3A_189 : memref<1x128xi32, #tpu.memory_space<vmem>> -> memref<128xi32, #tpu.memory_space<vmem>>
        %dma_start3A_191 = tpu.memref_slice %arg3[%mul3A_187] : memref<320000xi32, #tpu.memory_space<hbm>> -> memref<128xi32, #tpu.memory_space<hbm>>
        %dma_start3A_192 = arith.constant 0 : i32
        %dma_start3A_193 = tpu.memref_slice %arg7[%rem3A_134, %dma_start3A_192] : memref<2x128xi32, #tpu.memory_space<vmem>> -> memref<1x128xi32, #tpu.memory_space<vmem>>
        %dma_start3A_194 = tpu.memref_squeeze %dma_start3A_193 : memref<1x128xi32, #tpu.memory_space<vmem>> -> memref<128xi32, #tpu.memory_space<vmem>>
        %dma_start3A_195 = tpu.memref_slice %arg3[%mul3A_187] : memref<320000xi32, #tpu.memory_space<hbm>> -> memref<128xi32, #tpu.memory_space<hbm>>
        tpu.enqueue_dma source(%dma_start3A_195 : memref<128xi32, #tpu.memory_space<hbm>>) target(%dma_start3A_194 : memref<128xi32, #tpu.memory_space<vmem>>) target_semaphore(%arg11 : memref<!tpu.dma_semaphore, #tpu.memory_space<semaphore_mem>>)
      } else {
      }
    }
    %sub3A_106 = arith.constant 1 : i32
    %sub3A_107 = arith.subi %select_n3A_46, %sub3A_106 : i32
    %sub3A_108 = arith.subi %sub3A_107, %select_n3A : i32
    %rem3A_109 = arith.constant 2 : i32
    %rem3A_110 = arith.remsi %sub3A_108, %rem3A_109 : i32
    %dma_wait3A_111 = arith.constant 0 : i32
    %dma_wait3A_112 = arith.constant 0 : i32
    %dma_wait3A_113 = tpu.memref_slice %arg9[%rem3A_110, %dma_wait3A_111, %dma_wait3A_112] : memref<2x128x128xf32, #tpu.memory_space<vmem>> -> memref<1x128x128xf32, #tpu.memory_space<vmem>>
    %dma_wait3A_114 = tpu.memref_squeeze %dma_wait3A_113 : memref<1x128x128xf32, #tpu.memory_space<vmem>> -> memref<128x128xf32, #tpu.memory_space<vmem>>
    %dma_wait3A_115 = arith.constant 0 : i32
    %dma_wait3A_116 = arith.constant 0 : i32
    %dma_wait3A_117 = tpu.memref_slice %arg2[%dma_wait3A_115, %dma_wait3A_116] : memref<10000x128xf32, #tpu.memory_space<hbm>> -> memref<128x128xf32, #tpu.memory_space<hbm>>
    %dma_wait3A_118 = arith.constant 0 : i32
    %dma_wait3A_119 = arith.constant 0 : i32
    %dma_wait3A_120 = tpu.memref_slice %arg9[%rem3A_110, %dma_wait3A_118, %dma_wait3A_119] : memref<2x128x128xf32, #tpu.memory_space<vmem>> -> memref<1x128x128xf32, #tpu.memory_space<vmem>>
    %dma_wait3A_121 = tpu.memref_squeeze %dma_wait3A_120 : memref<1x128x128xf32, #tpu.memory_space<vmem>> -> memref<128x128xf32, #tpu.memory_space<vmem>>
    %dma_wait3A_122 = arith.constant 0 : i32
    %dma_wait3A_123 = arith.constant 0 : i32
    %dma_wait3A_124 = tpu.memref_slice %arg2[%dma_wait3A_122, %dma_wait3A_123] : memref<10000x128xf32, #tpu.memory_space<hbm>> -> memref<128x128xf32, #tpu.memory_space<hbm>>
    tpu.wait_dma2 semaphore(%arg14 : memref<!tpu.dma_semaphore, #tpu.memory_space<semaphore_mem>>) src(%dma_wait3A_124 : memref<128x128xf32, #tpu.memory_space<hbm>>) dst(%dma_wait3A_121 : memref<128x128xf32, #tpu.memory_space<vmem>>)
    %barrier3A_125 = arith.constant 0 : index
    tpu.barrier barrier_id(%barrier3A_125)
    %lt3A_126 = arith.constant 10 : i32
    %lt3A_127 = arith.cmpi slt, %arg1, %lt3A_126 : i32
    %convert_element_type3A_128 = arith.extui %lt3A_127 : i1 to i32
    %cond3A_129 = arith.constant 0 : i32
    %cond3A_130 = arith.cmpi ne, %convert_element_type3A_128, %cond3A_129 : i32
    scf.if %cond3A_130 {
      %mul3A_131 = arith.constant 1000 : i32
      %mul3A_132 = arith.muli %arg1, %mul3A_131 : i32
      %mul3A_133 = arith.constant 1000 : i32
      %mul3A_134 = arith.muli %arg1, %mul3A_133 : i32
      "tpu.region"() ({
        %run_scoped3A = tpu.sem_alloc : memref<!tpu.dma_semaphore, #tpu.memory_space<semaphore_mem>>
        %dma_start3A_135 = arith.constant 0 : i32
        %dma_start3A_136 = tpu.memref_slice %arg6[%arg0, %mul3A_134, %dma_start3A_135] : memref<2x10000x128xf32, #tpu.memory_space<hbm>> -> memref<1x1000x128xf32, #tpu.memory_space<hbm>>
        %dma_start3A_137 = tpu.memref_squeeze %dma_start3A_136 : memref<1x1000x128xf32, #tpu.memory_space<hbm>> -> memref<1000x128xf32, #tpu.memory_space<hbm>>
        %dma_start3A_138 = arith.constant 0 : i32
        %dma_start3A_139 = tpu.memref_slice %arg10[%mul3A_132, %dma_start3A_138] : memref<10000x128xf32, #tpu.memory_space<vmem_shared>> -> memref<1000x128xf32, #tpu.memory_space<vmem_shared>>
        tpu.enqueue_dma source(%dma_start3A_139 : memref<1000x128xf32, #tpu.memory_space<vmem_shared>>) target(%dma_start3A_137 : memref<1000x128xf32, #tpu.memory_space<hbm>>) target_semaphore(%run_scoped3A : memref<!tpu.dma_semaphore, #tpu.memory_space<semaphore_mem>>)
        %dma_wait3A_140 = arith.constant 0 : i32
        %dma_wait3A_141 = tpu.memref_slice %arg6[%arg0, %mul3A_134, %dma_wait3A_140] : memref<2x10000x128xf32, #tpu.memory_space<hbm>> -> memref<1x1000x128xf32, #tpu.memory_space<hbm>>
        %dma_wait3A_142 = tpu.memref_squeeze %dma_wait3A_141 : memref<1x1000x128xf32, #tpu.memory_space<hbm>> -> memref<1000x128xf32, #tpu.memory_space<hbm>>
        %dma_wait3A_143 = arith.constant 0 : i32
        %dma_wait3A_144 = tpu.memref_slice %arg10[%mul3A_132, %dma_wait3A_143] : memref<10000x128xf32, #tpu.memory_space<vmem_shared>> -> memref<1000x128xf32, #tpu.memory_space<vmem_shared>>
        tpu.wait_dma2 semaphore(%run_scoped3A : memref<!tpu.dma_semaphore, #tpu.memory_space<semaphore_mem>>) src(%dma_wait3A_144 : memref<1000x128xf32, #tpu.memory_space<vmem_shared>>) dst(%dma_wait3A_142 : memref<1000x128xf32, #tpu.memory_space<hbm>>)
        tpu.yield
      }) : () -> ()
    } else {
    }
    return
  }
}

module attributes {stable_mosaic.version = 14 : i64} {
  func.func @_t1_body(%arg0: i32, %arg1: memref<2x2000x128xf32, #tpu.memory_space<vmem>>, %arg2: memref<2000x128xf32, #tpu.memory_space<vmem>>, %arg3: memref<128x128xf32, #tpu.memory_space<vmem>>, %arg4: memref<2000x1xf32, #tpu.memory_space<vmem>>, %arg5: memref<2000x128xf32, #tpu.memory_space<vmem>>) attributes {dimension_semantics = [#tpu.dimension_semantics<arbitrary>], iteration_bounds = array<i64: 5>, scalar_prefetch = 0 : i64, scratch_operands = 0 : i64, tpu.core_type = #tpu.core_type<tc>, window_params = [{transform_indices = @transform_0, window_bounds = array<i64: 2, 2000, 128>}, {transform_indices = @transform_1, window_bounds = array<i64: 2000, 128>}, {pipeline_mode = #tpu.pipeline_mode<synchronous>, transform_indices = @transform_2, window_bounds = array<i64: 128, 128>}, {transform_indices = @transform_3, window_bounds = array<i64: 2000, 1>}, {transform_indices = @transform_4, window_bounds = array<i64: 2000, 128>}]} {
    %get3A = arith.constant 0 : index
    %get3A_0 = arith.constant 0 : index
    %get3A_1 = arith.constant 0 : index
    %get3A_2 = vector.load %arg1[%get3A, %get3A_0, %get3A_1] : memref<2x2000x128xf32, #tpu.memory_space<vmem>>, vector<1x2000x1xf32>
    %get3A_3 = vector.shape_cast %get3A_2 : vector<1x2000x1xf32> to vector<2000x1xf32>
    %get3A_4 = arith.constant 1 : index
    %get3A_5 = arith.constant 0 : index
    %get3A_6 = arith.constant 0 : index
    %get3A_7 = vector.load %arg1[%get3A_4, %get3A_5, %get3A_6] : memref<2x2000x128xf32, #tpu.memory_space<vmem>>, vector<1x2000x1xf32>
    %get3A_8 = vector.shape_cast %get3A_7 : vector<1x2000x1xf32> to vector<2000x1xf32>
    %add3A = arith.addf %get3A_3, %get3A_8 : vector<2000x1xf32>
    %add3A_9 = arith.constant 1.000000e+00 : f32
    %add3A_10 = vector.broadcast %add3A_9 : f32 to vector<2000x1xf32>
    %add3A_11 = arith.addf %add3A, %add3A_10 : vector<2000x1xf32>
    %max3A = arith.constant 9.99999996E-13 : f32
    %max3A_12 = vector.broadcast %max3A : f32 to vector<2000x1xf32>
    %max3A_13 = arith.maximumf %add3A_11, %max3A_12 : vector<2000x1xf32>
    %rsqrt3A = math.rsqrt %max3A_13 : vector<2000x1xf32>
    %swap3A = arith.constant 0 : index
    %swap3A_14 = arith.constant 0 : index
    %swap3A_15 = vector.load %arg4[%swap3A, %swap3A_14] : memref<2000x1xf32, #tpu.memory_space<vmem>>, vector<2000x1xf32>
    tpu.vector_store %arg4[%swap3A, %swap3A_14], %rsqrt3A {strides = array<i32>} : memref<2000x1xf32, #tpu.memory_space<vmem>>, vector<2000x1xf32>,
    %get3A_16 = arith.constant 0 : index
    %get3A_17 = arith.constant 0 : index
    %get3A_18 = vector.load %arg2[%get3A_16, %get3A_17] : memref<2000x128xf32, #tpu.memory_space<vmem>>, vector<2000x128xf32>
    %get3A_19 = arith.constant 0 : index
    %get3A_20 = arith.constant 0 : index
    %get3A_21 = vector.load %arg3[%get3A_19, %get3A_20] : memref<128x128xf32, #tpu.memory_space<vmem>>, vector<128x128xf32>
    %dot_general3A = arith.constant dense<0.000000e+00> : vector<2000x128xf32>
    %dot_general3A_22 = tpu.matmul %get3A_18, %get3A_21, %dot_general3A {dimension_numbers = #tpu.dot_dimension_numbers<[1], [0], [0], [1], [0, 0, 1, 1], [], []>, precision = #tpu.contract_precision<fp32>, transpose_lhs_hint = false} : vector<2000x128xf32>, vector<128x128xf32>, vector<2000x128xf32> -> vector<2000x128xf32>
    %mul3A = vector.broadcast %rsqrt3A : vector<2000x1xf32> to vector<2000x128xf32>
    %mul3A_23 = arith.mulf %dot_general3A_22, %mul3A : vector<2000x128xf32>
    %swap3A_24 = arith.constant 0 : index
    %swap3A_25 = arith.constant 0 : index
    %swap3A_26 = vector.load %arg5[%swap3A_24, %swap3A_25] : memref<2000x128xf32, #tpu.memory_space<vmem>>, vector<2000x128xf32>
    tpu.vector_store %arg5[%swap3A_24, %swap3A_25], %mul3A_23 {strides = array<i32>} : memref<2000x128xf32, #tpu.memory_space<vmem>>, vector<2000x128xf32>,
    return
  }
  func.func @transform_0(%arg0: i32) -> (i32, i32, i32) {
    %c0_i32 = arith.constant 0 : i32
    %c0_i32_0 = arith.constant 0 : i32
    %c0_i32_1 = arith.constant 0 : i32
    return %c0_i32, %arg0, %c0_i32_0 : i32, i32, i32
  }
  func.func @transform_1(%arg0: i32) -> (i32, i32) {
    %c0_i32 = arith.constant 0 : i32
    %c0_i32_0 = arith.constant 0 : i32
    return %arg0, %c0_i32 : i32, i32
  }
  func.func @transform_2(%arg0: i32) -> (i32, i32) {
    %c0_i32 = arith.constant 0 : i32
    %c0_i32_0 = arith.constant 0 : i32
    %c0_i32_1 = arith.constant 0 : i32
    return %c0_i32, %c0_i32_0 : i32, i32
  }
  func.func @transform_3(%arg0: i32) -> (i32, i32) {
    %c0_i32 = arith.constant 0 : i32
    %c0_i32_0 = arith.constant 0 : i32
    return %arg0, %c0_i32 : i32, i32
  }
  func.func @transform_4(%arg0: i32) -> (i32, i32) {
    %c0_i32 = arith.constant 0 : i32
    %c0_i32_0 = arith.constant 0 : i32
    return %arg0, %c0_i32 : i32, i32
  }
}

module attributes {stable_mosaic.version = 14 : i64} {
  func.func @_t2_body(%arg0: i32, %arg1: memref<2000x128xf32, #tpu.memory_space<vmem>>, %arg2: memref<2x2000x128xf32, #tpu.memory_space<vmem>>, %arg3: memref<2000x128xf32, #tpu.memory_space<vmem>>, %arg4: memref<2000x1xf32, #tpu.memory_space<vmem>>, %arg5: memref<128x128xf32, #tpu.memory_space<vmem>>, %arg6: memref<1x128xf32, #tpu.memory_space<vmem>>, %arg7: memref<128x128xf32, #tpu.memory_space<vmem>>, %arg8: memref<1x128xf32, #tpu.memory_space<vmem>>, %arg9: memref<128x128xf32, #tpu.memory_space<vmem>>, %arg10: memref<2000x128xf32, #tpu.memory_space<vmem>>, %arg11: memref<2000x128xf32, #tpu.memory_space<vmem>>) attributes {dimension_semantics = [#tpu.dimension_semantics<arbitrary>], iteration_bounds = array<i64: 5>, scalar_prefetch = 0 : i64, scratch_operands = 0 : i64, tpu.core_type = #tpu.core_type<tc>, window_params = [{transform_indices = @transform_0, window_bounds = array<i64: 2000, 128>}, {transform_indices = @transform_1, window_bounds = array<i64: 2, 2000, 128>}, {transform_indices = @transform_2, window_bounds = array<i64: 2000, 128>}, {transform_indices = @transform_3, window_bounds = array<i64: 2000, 1>}, {pipeline_mode = #tpu.pipeline_mode<synchronous>, transform_indices = @transform_4, window_bounds = array<i64: 128, 128>}, {pipeline_mode = #tpu.pipeline_mode<synchronous>, transform_indices = @transform_5, window_bounds = array<i64: 1, 128>}, {pipeline_mode = #tpu.pipeline_mode<synchronous>, transform_indices = @transform_6, window_bounds = array<i64: 128, 128>}, {pipeline_mode = #tpu.pipeline_mode<synchronous>, transform_indices = @transform_7, window_bounds = array<i64: 1, 128>}, {pipeline_mode = #tpu.pipeline_mode<synchronous>, transform_indices = @transform_8, window_bounds = array<i64: 128, 128>}, {transform_indices = @transform_9, window_bounds = array<i64: 2000, 128>}, {transform_indices = @transform_10, window_bounds = array<i64: 2000, 128>}]} {
    %get3A = arith.constant 0 : index
    %get3A_0 = arith.constant 0 : index
    %get3A_1 = vector.load %arg1[%get3A, %get3A_0] : memref<2000x128xf32, #tpu.memory_space<vmem>>, vector<2000x128xf32>
    %get3A_2 = arith.constant 0 : index
    %get3A_3 = arith.constant 0 : index
    %get3A_4 = vector.load %arg4[%get3A_2, %get3A_3] : memref<2000x1xf32, #tpu.memory_space<vmem>>, vector<2000x1xf32>
    %get3A_5 = arith.constant 0 : index
    %get3A_6 = arith.constant 0 : index
    %get3A_7 = arith.constant 0 : index
    %get3A_8 = vector.load %arg2[%get3A_5, %get3A_6, %get3A_7] : memref<2x2000x128xf32, #tpu.memory_space<vmem>>, vector<1x2000x128xf32>
    %get3A_9 = vector.shape_cast %get3A_8 : vector<1x2000x128xf32> to vector<2000x128xf32>
    %get3A_10 = arith.constant 1 : index
    %get3A_11 = arith.constant 0 : index
    %get3A_12 = arith.constant 0 : index
    %get3A_13 = vector.load %arg2[%get3A_10, %get3A_11, %get3A_12] : memref<2x2000x128xf32, #tpu.memory_space<vmem>>, vector<1x2000x128xf32>
    %get3A_14 = vector.shape_cast %get3A_13 : vector<1x2000x128xf32> to vector<2000x128xf32>
    %add3A = arith.addf %get3A_9, %get3A_14 : vector<2000x128xf32>
    %get3A_15 = arith.constant 0 : index
    %get3A_16 = arith.constant 0 : index
    %get3A_17 = vector.load %arg3[%get3A_15, %get3A_16] : memref<2000x128xf32, #tpu.memory_space<vmem>>, vector<2000x128xf32>
    %add3A_18 = arith.addf %add3A, %get3A_17 : vector<2000x128xf32>
    %mul3A = vector.broadcast %get3A_4 : vector<2000x1xf32> to vector<2000x128xf32>
    %mul3A_19 = arith.mulf %add3A_18, %mul3A : vector<2000x128xf32>
    %get3A_20 = arith.constant 0 : index
    %get3A_21 = arith.constant 0 : index
    %get3A_22 = vector.load %arg5[%get3A_20, %get3A_21] : memref<128x128xf32, #tpu.memory_space<vmem>>, vector<128x128xf32>
    %dot_general3A = arith.constant dense<0.000000e+00> : vector<2000x128xf32>
    %dot_general3A_23 = tpu.matmul %get3A_1, %get3A_22, %dot_general3A {dimension_numbers = #tpu.dot_dimension_numbers<[1], [1], [0], [0], [0, 0, 1, 0], [], []>, precision = #tpu.contract_precision<fp32>, transpose_lhs_hint = false} : vector<2000x128xf32>, vector<128x128xf32>, vector<2000x128xf32> -> vector<2000x128xf32>
    %get3A_24 = arith.constant 0 : index
    %get3A_25 = arith.constant 0 : index
    %get3A_26 = vector.load %arg5[%get3A_24, %get3A_25] : memref<128x128xf32, #tpu.memory_space<vmem>>, vector<128x128xf32>
    %dot_general3A_27 = arith.constant dense<0.000000e+00> : vector<2000x128xf32>
    %dot_general3A_28 = tpu.matmul %get3A_1, %get3A_26, %dot_general3A_27 {dimension_numbers = #tpu.dot_dimension_numbers<[1], [0], [0], [1], [0, 0, 1, 1], [], []>, precision = #tpu.contract_precision<fp32>, transpose_lhs_hint = false} : vector<2000x128xf32>, vector<128x128xf32>, vector<2000x128xf32> -> vector<2000x128xf32>
    %sub3A = arith.subf %dot_general3A_23, %dot_general3A_28 : vector<2000x128xf32>
    %mul3A_29 = arith.constant 1.000000e-01 : f32
    %mul3A_30 = vector.broadcast %mul3A_29 : f32 to vector<2000x128xf32>
    %mul3A_31 = arith.mulf %mul3A_30, %get3A_1 : vector<2000x128xf32>
    %sub3A_32 = arith.subf %sub3A, %mul3A_31 : vector<2000x128xf32>
    %add3A_33 = arith.addf %sub3A_32, %mul3A_19 : vector<2000x128xf32>
    %get3A_34 = arith.constant 0 : index
    %get3A_35 = arith.constant 0 : index
    %get3A_36 = vector.load %arg6[%get3A_34, %get3A_35] : memref<1x128xf32, #tpu.memory_space<vmem>>, vector<1x128xf32>
    %add3A_37 = vector.broadcast %get3A_36 : vector<1x128xf32> to vector<2000x128xf32>
    %add3A_38 = arith.addf %add3A_33, %add3A_37 : vector<2000x128xf32>
    %tanh3A = math.tanh %add3A_38 : vector<2000x128xf32>
    %mul3A_39 = arith.constant 1.000000e-01 : f32
    %mul3A_40 = vector.broadcast %mul3A_39 : f32 to vector<2000x128xf32>
    %mul3A_41 = arith.mulf %mul3A_40, %tanh3A : vector<2000x128xf32>
    %add3A_42 = arith.addf %get3A_1, %mul3A_41 : vector<2000x128xf32>
    %max3A = arith.constant 0.000000e+00 : f32
    %max3A_43 = vector.broadcast %max3A : f32 to vector<2000x128xf32>
    %max3A_44 = arith.maximumf %add3A_42, %max3A_43 : vector<2000x128xf32>
    %get3A_45 = arith.constant 0 : index
    %get3A_46 = arith.constant 0 : index
    %get3A_47 = vector.load %arg7[%get3A_45, %get3A_46] : memref<128x128xf32, #tpu.memory_space<vmem>>, vector<128x128xf32>
    %dot_general3A_48 = arith.constant dense<0.000000e+00> : vector<2000x128xf32>
    %dot_general3A_49 = tpu.matmul %max3A_44, %get3A_47, %dot_general3A_48 {dimension_numbers = #tpu.dot_dimension_numbers<[1], [1], [0], [0], [0, 0, 1, 0], [], []>, precision = #tpu.contract_precision<fp32>, transpose_lhs_hint = false} : vector<2000x128xf32>, vector<128x128xf32>, vector<2000x128xf32> -> vector<2000x128xf32>
    %get3A_50 = arith.constant 0 : index
    %get3A_51 = arith.constant 0 : index
    %get3A_52 = vector.load %arg8[%get3A_50, %get3A_51] : memref<1x128xf32, #tpu.memory_space<vmem>>, vector<1x128xf32>
    %add3A_53 = vector.broadcast %get3A_52 : vector<1x128xf32> to vector<2000x128xf32>
    %add3A_54 = arith.addf %dot_general3A_49, %add3A_53 : vector<2000x128xf32>
    %max3A_55 = arith.constant 0.000000e+00 : f32
    %max3A_56 = vector.broadcast %max3A_55 : f32 to vector<2000x128xf32>
    %max3A_57 = arith.maximumf %add3A_54, %max3A_56 : vector<2000x128xf32>
    %swap3A = arith.constant 0 : index
    %swap3A_58 = arith.constant 0 : index
    %swap3A_59 = vector.load %arg10[%swap3A, %swap3A_58] : memref<2000x128xf32, #tpu.memory_space<vmem>>, vector<2000x128xf32>
    tpu.vector_store %arg10[%swap3A, %swap3A_58], %max3A_57 {strides = array<i32>} : memref<2000x128xf32, #tpu.memory_space<vmem>>, vector<2000x128xf32>,
    %get3A_60 = arith.constant 0 : index
    %get3A_61 = arith.constant 0 : index
    %get3A_62 = vector.load %arg9[%get3A_60, %get3A_61] : memref<128x128xf32, #tpu.memory_space<vmem>>, vector<128x128xf32>
    %dot_general3A_63 = arith.constant dense<0.000000e+00> : vector<2000x128xf32>
    %dot_general3A_64 = tpu.matmul %max3A_57, %get3A_62, %dot_general3A_63 {dimension_numbers = #tpu.dot_dimension_numbers<[1], [0], [0], [1], [0, 0, 1, 1], [], []>, precision = #tpu.contract_precision<fp32>, transpose_lhs_hint = false} : vector<2000x128xf32>, vector<128x128xf32>, vector<2000x128xf32> -> vector<2000x128xf32>
    %mul3A_65 = vector.broadcast %get3A_4 : vector<2000x1xf32> to vector<2000x128xf32>
    %mul3A_66 = arith.mulf %dot_general3A_64, %mul3A_65 : vector<2000x128xf32>
    %swap3A_67 = arith.constant 0 : index
    %swap3A_68 = arith.constant 0 : index
    %swap3A_69 = vector.load %arg11[%swap3A_67, %swap3A_68] : memref<2000x128xf32, #tpu.memory_space<vmem>>, vector<2000x128xf32>
    tpu.vector_store %arg11[%swap3A_67, %swap3A_68], %mul3A_66 {strides = array<i32>} : memref<2000x128xf32, #tpu.memory_space<vmem>>, vector<2000x128xf32>,
    return
  }
  func.func @transform_0(%arg0: i32) -> (i32, i32) {
    %c0_i32 = arith.constant 0 : i32
    %c0_i32_0 = arith.constant 0 : i32
    return %arg0, %c0_i32 : i32, i32
  }
  func.func @transform_1(%arg0: i32) -> (i32, i32, i32) {
    %c0_i32 = arith.constant 0 : i32
    %c0_i32_0 = arith.constant 0 : i32
    %c0_i32_1 = arith.constant 0 : i32
    return %c0_i32, %arg0, %c0_i32_0 : i32, i32, i32
  }
  func.func @transform_2(%arg0: i32) -> (i32, i32) {
    %c0_i32 = arith.constant 0 : i32
    %c0_i32_0 = arith.constant 0 : i32
    return %arg0, %c0_i32 : i32, i32
  }
  func.func @transform_3(%arg0: i32) -> (i32, i32) {
    %c0_i32 = arith.constant 0 : i32
    %c0_i32_0 = arith.constant 0 : i32
    return %arg0, %c0_i32 : i32, i32
  }
  func.func @transform_4(%arg0: i32) -> (i32, i32) {
    %c0_i32 = arith.constant 0 : i32
    %c0_i32_0 = arith.constant 0 : i32
    %c0_i32_1 = arith.constant 0 : i32
    return %c0_i32, %c0_i32_0 : i32, i32
  }
  func.func @transform_5(%arg0: i32) -> (i32, i32) {
    %c0_i32 = arith.constant 0 : i32
    %c0_i32_0 = arith.constant 0 : i32
    %c0_i32_1 = arith.constant 0 : i32
    return %c0_i32, %c0_i32_0 : i32, i32
  }
  func.func @transform_6(%arg0: i32) -> (i32, i32) {
    %c0_i32 = arith.constant 0 : i32
    %c0_i32_0 = arith.constant 0 : i32
    %c0_i32_1 = arith.constant 0 : i32
    return %c0_i32, %c0_i32_0 : i32, i32
  }
  func.func @transform_7(%arg0: i32) -> (i32, i32) {
    %c0_i32 = arith.constant 0 : i32
    %c0_i32_0 = arith.constant 0 : i32
    %c0_i32_1 = arith.constant 0 : i32
    return %c0_i32, %c0_i32_0 : i32, i32
  }
  func.func @transform_8(%arg0: i32) -> (i32, i32) {
    %c0_i32 = arith.constant 0 : i32
    %c0_i32_0 = arith.constant 0 : i32
    %c0_i32_1 = arith.constant 0 : i32
    return %c0_i32, %c0_i32_0 : i32, i32
  }
  func.func @transform_9(%arg0: i32) -> (i32, i32) {
    %c0_i32 = arith.constant 0 : i32
    %c0_i32_0 = arith.constant 0 : i32
    return %arg0, %c0_i32 : i32, i32
  }
  func.func @transform_10(%arg0: i32) -> (i32, i32) {
    %c0_i32 = arith.constant 0 : i32
    %c0_i32_0 = arith.constant 0 : i32
    return %arg0, %c0_i32 : i32, i32
  }
}

module attributes {stable_mosaic.version = 14 : i64} {
  func.func @_t3_body(%arg0: i32, %arg1: memref<2000x128xf32, #tpu.memory_space<vmem>>, %arg2: memref<2x2000x128xf32, #tpu.memory_space<vmem>>, %arg3: memref<2000x128xf32, #tpu.memory_space<vmem>>, %arg4: memref<2000x1xf32, #tpu.memory_space<vmem>>, %arg5: memref<128x128xf32, #tpu.memory_space<vmem>>, %arg6: memref<1x128xf32, #tpu.memory_space<vmem>>, %arg7: memref<40x128xf32, #tpu.memory_space<vmem>>, %arg8: memref<1x40xf32, #tpu.memory_space<vmem>>, %arg9: memref<2000x40xf32, #tpu.memory_space<vmem>>, %arg10: memref<2000x128xf32, #tpu.memory_space<vmem>>) attributes {dimension_semantics = [#tpu.dimension_semantics<arbitrary>], iteration_bounds = array<i64: 5>, scalar_prefetch = 0 : i64, scratch_operands = 0 : i64, tpu.core_type = #tpu.core_type<tc>, window_params = [{transform_indices = @transform_0, window_bounds = array<i64: 2000, 128>}, {transform_indices = @transform_1, window_bounds = array<i64: 2, 2000, 128>}, {transform_indices = @transform_2, window_bounds = array<i64: 2000, 128>}, {transform_indices = @transform_3, window_bounds = array<i64: 2000, 1>}, {pipeline_mode = #tpu.pipeline_mode<synchronous>, transform_indices = @transform_4, window_bounds = array<i64: 128, 128>}, {pipeline_mode = #tpu.pipeline_mode<synchronous>, transform_indices = @transform_5, window_bounds = array<i64: 1, 128>}, {pipeline_mode = #tpu.pipeline_mode<synchronous>, transform_indices = @transform_6, window_bounds = array<i64: 40, 128>}, {pipeline_mode = #tpu.pipeline_mode<synchronous>, transform_indices = @transform_7, window_bounds = array<i64: 1, 40>}, {transform_indices = @transform_8, window_bounds = array<i64: 2000, 40>}, {transform_indices = @transform_9, window_bounds = array<i64: 2000, 128>}]} {
    %get3A = arith.constant 0 : index
    %get3A_0 = arith.constant 0 : index
    %get3A_1 = vector.load %arg1[%get3A, %get3A_0] : memref<2000x128xf32, #tpu.memory_space<vmem>>, vector<2000x128xf32>
    %get3A_2 = arith.constant 0 : index
    %get3A_3 = arith.constant 0 : index
    %get3A_4 = vector.load %arg4[%get3A_2, %get3A_3] : memref<2000x1xf32, #tpu.memory_space<vmem>>, vector<2000x1xf32>
    %get3A_5 = arith.constant 0 : index
    %get3A_6 = arith.constant 0 : index
    %get3A_7 = arith.constant 0 : index
    %get3A_8 = vector.load %arg2[%get3A_5, %get3A_6, %get3A_7] : memref<2x2000x128xf32, #tpu.memory_space<vmem>>, vector<1x2000x128xf32>
    %get3A_9 = vector.shape_cast %get3A_8 : vector<1x2000x128xf32> to vector<2000x128xf32>
    %get3A_10 = arith.constant 1 : index
    %get3A_11 = arith.constant 0 : index
    %get3A_12 = arith.constant 0 : index
    %get3A_13 = vector.load %arg2[%get3A_10, %get3A_11, %get3A_12] : memref<2x2000x128xf32, #tpu.memory_space<vmem>>, vector<1x2000x128xf32>
    %get3A_14 = vector.shape_cast %get3A_13 : vector<1x2000x128xf32> to vector<2000x128xf32>
    %add3A = arith.addf %get3A_9, %get3A_14 : vector<2000x128xf32>
    %get3A_15 = arith.constant 0 : index
    %get3A_16 = arith.constant 0 : index
    %get3A_17 = vector.load %arg3[%get3A_15, %get3A_16] : memref<2000x128xf32, #tpu.memory_space<vmem>>, vector<2000x128xf32>
    %add3A_18 = arith.addf %add3A, %get3A_17 : vector<2000x128xf32>
    %mul3A = vector.broadcast %get3A_4 : vector<2000x1xf32> to vector<2000x128xf32>
    %mul3A_19 = arith.mulf %add3A_18, %mul3A : vector<2000x128xf32>
    %get3A_20 = arith.constant 0 : index
    %get3A_21 = arith.constant 0 : index
    %get3A_22 = vector.load %arg5[%get3A_20, %get3A_21] : memref<128x128xf32, #tpu.memory_space<vmem>>, vector<128x128xf32>
    %dot_general3A = arith.constant dense<0.000000e+00> : vector<2000x128xf32>
    %dot_general3A_23 = tpu.matmul %get3A_1, %get3A_22, %dot_general3A {dimension_numbers = #tpu.dot_dimension_numbers<[1], [1], [0], [0], [0, 0, 1, 0], [], []>, precision = #tpu.contract_precision<fp32>, transpose_lhs_hint = false} : vector<2000x128xf32>, vector<128x128xf32>, vector<2000x128xf32> -> vector<2000x128xf32>
    %get3A_24 = arith.constant 0 : index
    %get3A_25 = arith.constant 0 : index
    %get3A_26 = vector.load %arg5[%get3A_24, %get3A_25] : memref<128x128xf32, #tpu.memory_space<vmem>>, vector<128x128xf32>
    %dot_general3A_27 = arith.constant dense<0.000000e+00> : vector<2000x128xf32>
    %dot_general3A_28 = tpu.matmul %get3A_1, %get3A_26, %dot_general3A_27 {dimension_numbers = #tpu.dot_dimension_numbers<[1], [0], [0], [1], [0, 0, 1, 1], [], []>, precision = #tpu.contract_precision<fp32>, transpose_lhs_hint = false} : vector<2000x128xf32>, vector<128x128xf32>, vector<2000x128xf32> -> vector<2000x128xf32>
    %sub3A = arith.subf %dot_general3A_23, %dot_general3A_28 : vector<2000x128xf32>
    %mul3A_29 = arith.constant 1.000000e-01 : f32
    %mul3A_30 = vector.broadcast %mul3A_29 : f32 to vector<2000x128xf32>
    %mul3A_31 = arith.mulf %mul3A_30, %get3A_1 : vector<2000x128xf32>
    %sub3A_32 = arith.subf %sub3A, %mul3A_31 : vector<2000x128xf32>
    %add3A_33 = arith.addf %sub3A_32, %mul3A_19 : vector<2000x128xf32>
    %get3A_34 = arith.constant 0 : index
    %get3A_35 = arith.constant 0 : index
    %get3A_36 = vector.load %arg6[%get3A_34, %get3A_35] : memref<1x128xf32, #tpu.memory_space<vmem>>, vector<1x128xf32>
    %add3A_37 = vector.broadcast %get3A_36 : vector<1x128xf32> to vector<2000x128xf32>
    %add3A_38 = arith.addf %add3A_33, %add3A_37 : vector<2000x128xf32>
    %tanh3A = math.tanh %add3A_38 : vector<2000x128xf32>
    %mul3A_39 = arith.constant 1.000000e-01 : f32
    %mul3A_40 = vector.broadcast %mul3A_39 : f32 to vector<2000x128xf32>
    %mul3A_41 = arith.mulf %mul3A_40, %tanh3A : vector<2000x128xf32>
    %add3A_42 = arith.addf %get3A_1, %mul3A_41 : vector<2000x128xf32>
    %max3A = arith.constant 0.000000e+00 : f32
    %max3A_43 = vector.broadcast %max3A : f32 to vector<2000x128xf32>
    %max3A_44 = arith.maximumf %add3A_42, %max3A_43 : vector<2000x128xf32>
    %swap3A = arith.constant 0 : index
    %swap3A_45 = arith.constant 0 : index
    %swap3A_46 = vector.load %arg10[%swap3A, %swap3A_45] : memref<2000x128xf32, #tpu.memory_space<vmem>>, vector<2000x128xf32>
    tpu.vector_store %arg10[%swap3A, %swap3A_45], %max3A_44 {strides = array<i32>} : memref<2000x128xf32, #tpu.memory_space<vmem>>, vector<2000x128xf32>,
    %get3A_47 = arith.constant 0 : index
    %get3A_48 = arith.constant 0 : index
    %get3A_49 = vector.load %arg7[%get3A_47, %get3A_48] : memref<40x128xf32, #tpu.memory_space<vmem>>, vector<40x128xf32>
    %dot_general3A_50 = arith.constant dense<0.000000e+00> : vector<2000x40xf32>
    %dot_general3A_51 = tpu.matmul %max3A_44, %get3A_49, %dot_general3A_50 {dimension_numbers = #tpu.dot_dimension_numbers<[1], [1], [0], [0], [0, 0, 1, 0], [], []>, precision = #tpu.contract_precision<fp32>, transpose_lhs_hint = false} : vector<2000x128xf32>, vector<40x128xf32>, vector<2000x40xf32> -> vector<2000x40xf32>
    %get3A_52 = arith.constant 0 : index
    %get3A_53 = arith.constant 0 : index
    %get3A_54 = vector.load %arg8[%get3A_52, %get3A_53] : memref<1x40xf32, #tpu.memory_space<vmem>>, vector<1x40xf32>
    %add3A_55 = vector.broadcast %get3A_54 : vector<1x40xf32> to vector<2000x40xf32>
    %add3A_56 = arith.addf %dot_general3A_51, %add3A_55 : vector<2000x40xf32>
    %reduce_max3A = arith.constant dense<0xFF800000> : vector<2000xf32>
    %reduce_max3A_57 = vector.multi_reduction <maximumf>, %add3A_56, %reduce_max3A [1] : vector<2000x40xf32> to vector<2000xf32>
    %broadcast_in_dim3A = vector.shape_cast %reduce_max3A_57 : vector<2000xf32> to vector<2000x1xf32>
    %sub3A_58 = vector.broadcast %broadcast_in_dim3A : vector<2000x1xf32> to vector<2000x40xf32>
    %sub3A_59 = arith.subf %add3A_56, %sub3A_58 : vector<2000x40xf32>
    %exp3A = math.exp %sub3A_59 : vector<2000x40xf32>
    %reduce_sum3A = arith.constant dense<0.000000e+00> : vector<2000xf32>
    %reduce_sum3A_60 = vector.multi_reduction <add>, %exp3A, %reduce_sum3A [1] : vector<2000x40xf32> to vector<2000xf32>
    %broadcast_in_dim3A_61 = vector.shape_cast %reduce_sum3A_60 : vector<2000xf32> to vector<2000x1xf32>
    %log3A = math.log %broadcast_in_dim3A_61 : vector<2000x1xf32>
    %add3A_62 = arith.addf %broadcast_in_dim3A, %log3A : vector<2000x1xf32>
    %sub3A_63 = vector.broadcast %add3A_62 : vector<2000x1xf32> to vector<2000x40xf32>
    %sub3A_64 = arith.subf %add3A_56, %sub3A_63 : vector<2000x40xf32>
    %swap3A_65 = arith.constant 0 : index
    %swap3A_66 = arith.constant 0 : index
    %swap3A_67 = vector.load %arg9[%swap3A_65, %swap3A_66] : memref<2000x40xf32, #tpu.memory_space<vmem>>, vector<2000x40xf32>
    tpu.vector_store %arg9[%swap3A_65, %swap3A_66], %sub3A_64 {strides = array<i32>} : memref<2000x40xf32, #tpu.memory_space<vmem>>, vector<2000x40xf32>,
    return
  }
  func.func @transform_0(%arg0: i32) -> (i32, i32) {
    %c0_i32 = arith.constant 0 : i32
    %c0_i32_0 = arith.constant 0 : i32
    return %arg0, %c0_i32 : i32, i32
  }
  func.func @transform_1(%arg0: i32) -> (i32, i32, i32) {
    %c0_i32 = arith.constant 0 : i32
    %c0_i32_0 = arith.constant 0 : i32
    %c0_i32_1 = arith.constant 0 : i32
    return %c0_i32, %arg0, %c0_i32_0 : i32, i32, i32
  }
  func.func @transform_2(%arg0: i32) -> (i32, i32) {
    %c0_i32 = arith.constant 0 : i32
    %c0_i32_0 = arith.constant 0 : i32
    return %arg0, %c0_i32 : i32, i32
  }
  func.func @transform_3(%arg0: i32) -> (i32, i32) {
    %c0_i32 = arith.constant 0 : i32
    %c0_i32_0 = arith.constant 0 : i32
    return %arg0, %c0_i32 : i32, i32
  }
  func.func @transform_4(%arg0: i32) -> (i32, i32) {
    %c0_i32 = arith.constant 0 : i32
    %c0_i32_0 = arith.constant 0 : i32
    %c0_i32_1 = arith.constant 0 : i32
    return %c0_i32, %c0_i32_0 : i32, i32
  }
  func.func @transform_5(%arg0: i32) -> (i32, i32) {
    %c0_i32 = arith.constant 0 : i32
    %c0_i32_0 = arith.constant 0 : i32
    %c0_i32_1 = arith.constant 0 : i32
    return %c0_i32, %c0_i32_0 : i32, i32
  }
  func.func @transform_6(%arg0: i32) -> (i32, i32) {
    %c0_i32 = arith.constant 0 : i32
    %c0_i32_0 = arith.constant 0 : i32
    %c0_i32_1 = arith.constant 0 : i32
    return %c0_i32, %c0_i32_0 : i32, i32
  }
  func.func @transform_7(%arg0: i32) -> (i32, i32) {
    %c0_i32 = arith.constant 0 : i32
    %c0_i32_0 = arith.constant 0 : i32
    %c0_i32_1 = arith.constant 0 : i32
    return %c0_i32, %c0_i32_0 : i32, i32
  }
  func.func @transform_8(%arg0: i32) -> (i32, i32) {
    %c0_i32 = arith.constant 0 : i32
    %c0_i32_0 = arith.constant 0 : i32
    return %arg0, %c0_i32 : i32, i32
  }
  func.func @transform_9(%arg0: i32) -> (i32, i32) {
    %c0_i32 = arith.constant 0 : i32
    %c0_i32_0 = arith.constant 0 : i32
    return %arg0, %c0_i32 : i32, i32
  }
}

</mosaic_0001>

<sc_bundles>
// kernel: kernel.11.cloned.1.call-start
scs
__scs_entry_jumppad:
0x0: {  	(pc) =	sbr.rel $0x88, $3  }
0x1: {  	(tag) =	ssettag $0x0;
	lr =	simm.s32 $0x1  }
0x2: {  	[smem:$0x3F95] =	sst lr;
	_ =	strace $0xD0000000  }
0x3: {  	_ = 	snop  }
0x4: {  	_ = 	snop  }
0x5: {  	_ = 	snop  }
0x6: {  	_ = 	snop  }
0x7: {  	_ = 	snop  }
__scs_overlays_trampoline_lowered:
0x8: {  	[smem:$0x3FA4] =	sst s0  }
0x9: {  	[smem:$0x3FA5] =	sst s1  }
0xa: {  	[smem:$0x3FA6] =	sst s2  }
0xb: {  	[smem:$0x3FA7] =	sst s3  }
0xc: {  	[smem:$0x3FA8] =	sst s4  }
0xd: {  	[smem:$0x3FA9] =	sst s5  }
0xe: {  	[smem:$0x3FAA] =	sst s6  }
0xf: {  	[smem:$0x3FAB] =	sst s7  }
0x10: {  	[smem:$0x3FAC] =	sst s8  }
0x11: {  	[smem:$0x3FAD] =	sst s9;
	s0 =	simm.s32 @!p0 $0x0  }
0x12: {  	s1 =	sld [smem:$0x3F93];
	s0 =	simm.s32 @p0 $0x1  }
0x13: {  	[smem:$0x3FAE] =	sst s0;
	s0 =	simm.s32 @!p1 $0x0  }
0x14: {  	s2 =	sld [smem:$0x3F92];
	s0 =	simm.s32 @p1 $0x1  }
0x15: {  	[smem:$0x3FAF] =	sst s0;
	s0 =	simm.s32 @!p2 $0x0  }
0x16: {  	s3 =	sld [smem:$0x3FDB];
	s0 =	simm.s32 @p2 $0x1  }
0x17: {  	s4 =	simm.s32 $0x1BF5;
	[smem:$0x3FB1] =	sst s0  }
0x18: {  	s0 =	sld [smem:$0x3F94];
	_ =	swait.ge [sflag:s4], $0x0  }
0x19: {  	s7 =	sld [smem:$0x3F95]  }
0x1a: {  	s8 =	sadd.s32 $0xFFFFE003, lr  }
0x1b: {  	s9 =	sadd.s32 $0xFFFFFEF7, lr;
	s5 =	simm.s32 $0xFFFFFFFF;
	p2 =	slt.u32 s8, $0xFFFFF086  }
0x1c: {  	p1 =	slt.u32 s9, $0xF7A;
	s5 =	simm.s32 @!p2 $0x0  }
0x1d: {  	s5 =	simm.s32 @p1 $0x1;
	p0 =	seq.s32 s7, s2  }
0x1e: {  	s7 =	smul.u32 @!p0 $0xF7A, s2;
	p2 =	seq.s32 @!p0 s5, $0x0  }
0x1f: {  	s9 =	smul.u32 $0xF7A, s1;
	s8 =	simm.s32 @!p0 $0x1BF5;
	p2 =	por !p2, p0  }
0x20: {  	[sflag:s8] =	ssyncset.s32 @!p0 $0xFFFFF086;
	s6 =	sadd.s32 @!p0 s3, s7;
	s7 =	simm.s32 @!p0 $0x108  }
0x21: {  	s3 =	sadd.s32 s3, s9;
	s6 =	sadd.s32 @!p0 $0x88, s6;
	s7 =	simm.s32 @p2 $0x1082  }
0x22: {  	[simem:s7], [sflag:s8] =	dma.local @!p0 [hbm:s6], $0xF7A  }
0x23: {  	s9 =	sor.u32 $0xD0000000, s2;
	s6 =	simm.s32 $0x108;
	_ =	swait.ge @!p0 [sflag:s8], $0x0  }
0x24: {  	s3 =	sadd.s32 $0x88, s3;
	s6 =	simm.s32 @!p1 $0x1082;
	[sflag:s4] =	ssyncset.s32 $0xFFFFF086  }
0x25: {  	[simem:s6], [sflag:s4] =	dma.local [hbm:s3], $0xF7A  }
0x26: {  	[smem:$0x3F95] =	sst s1;
	(tag) =	ssettag s2;
	_ =	strace s9  }
0x27: {  	s1 =	sld [smem:$0x3FA5]  }
0x28: {  	s2 =	sld [smem:$0x3FA6]  }
0x29: {  	s4 =	sld [smem:$0x3FA8]  }
0x2a: {  	p0 =	seq.s32 s5, $0x0;
	s5 =	sld [smem:$0x3FA9]  }
0x2b: {  	s6 =	sld [smem:$0x3FAA]  }
0x2c: {  	s7 =	sld [smem:$0x3FAB]  }
0x2d: {  	s3 =	simm.s32 $0x108;
	s8 =	sld [smem:$0x3FAC]  }
0x2e: {  	s3 =	simm.s32 @!p0 $0x1082;
	s9 =	sld [smem:$0x3FAD]  }
0x2f: {  	lr =	sadd.s32 s0, s3;
	s0 =	sld [smem:$0x3FA4]  }
0x30: {  	s3 =	sld [smem:$0x3FA7]  }
0x31: {  	[smem:$0x3FB0] =	sst s10  }
0x32: {  	s10 =	sld [smem:$0x3FAE];
	_ =	sdelay $0x3  }
0x33: {  	p0 =	seq.s32 s10, $0x1;
	s10 =	sld [smem:$0x3FB0];
	_ =	sdelay $0x3  }
0x34: {  	[smem:$0x3FB0] =	sst s10  }
0x35: {  	s10 =	sld [smem:$0x3FAF];
	_ =	sdelay $0x3  }
0x36: {  	p1 =	seq.s32 s10, $0x1;
	s10 =	sld [smem:$0x3FB0];
	_ =	sdelay $0x3  }
0x37: {  	[smem:$0x3FB0] =	sst s10  }
0x38: {  	s10 =	sld [smem:$0x3FB1]  }
0x39: {  	_ = 	snop;
	(pc) =	sbr.ind lr, $3  }
0x3a: {  	_ = 	snop  }
0x3b: {  	_ = 	snop  }
0x3c: {  	p2 =	seq.s32 s10, $0x1;
	s10 =	sld [smem:$0x3FB0]  }
0x3d: {  	_ =	shalt  }
0x3e: {  	_ =	shalt  }
0x3f: {  	_ =	shalt  }
0x40: {  	_ =	shalt  }
0x41: {  	_ =	shalt  }
0x42: {  	_ =	shalt  }
0x43: {  	_ =	shalt  }
0x44: {  	_ =	shalt  }
0x45: {  	_ =	shalt  }
0x46: {  	_ =	shalt  }
0x47: {  	_ =	shalt  }
0x48: {  	_ =	shalt  }
0x49: {  	_ =	shalt  }
0x4a: {  	_ =	shalt  }
0x4b: {  	_ =	shalt  }
0x4c: {  	_ =	shalt  }
0x4d: {  	_ =	shalt  }
0x4e: {  	_ =	shalt  }
0x4f: {  	_ =	shalt  }
0x50: {  	_ =	shalt  }
0x51: {  	_ =	shalt  }
0x52: {  	_ =	shalt  }
0x53: {  	_ =	shalt  }
0x54: {  	_ =	shalt  }
0x55: {  	_ =	shalt  }
0x56: {  	_ =	shalt  }
0x57: {  	_ =	shalt  }
0x58: {  	_ =	shalt  }
0x59: {  	_ =	shalt  }
0x5a: {  	_ =	shalt  }
0x5b: {  	_ =	shalt  }
0x5c: {  	_ =	shalt  }
0x5d: {  	_ =	shalt  }
0x5e: {  	_ =	shalt  }
0x5f: {  	_ =	shalt  }
0x60: {  	_ =	shalt  }
0x61: {  	_ =	shalt  }
0x62: {  	_ =	shalt  }
0x63: {  	_ =	shalt  }
0x64: {  	_ =	shalt  }
0x65: {  	_ =	shalt  }
0x66: {  	_ =	shalt  }
0x67: {  	_ =	shalt  }
0x68: {  	_ =	shalt  }
0x69: {  	_ =	shalt  }
0x6a: {  	_ =	shalt  }
0x6b: {  	_ =	shalt  }
0x6c: {  	_ =	shalt  }
0x6d: {  	_ =	shalt  }
0x6e: {  	_ =	shalt  }
0x6f: {  	_ =	shalt  }
0x70: {  	_ =	shalt  }
0x71: {  	_ =	shalt  }
0x72: {  	_ =	shalt  }
0x73: {  	_ =	shalt  }
0x74: {  	_ =	shalt  }
0x75: {  	_ =	shalt  }
0x76: {  	_ =	shalt  }
0x77: {  	_ =	shalt  }
0x78: {  	_ =	shalt  }
0x79: {  	_ =	shalt  }
0x7a: {  	_ =	shalt  }
0x7b: {  	_ =	shalt  }
0x7c: {  	_ =	shalt  }
0x7d: {  	_ =	shalt  }
0x7e: {  	_ =	shalt  }
0x7f: {  	_ =	shalt  }
0x80: {  	_ =	shalt  }
0x81: {  	_ =	shalt  }
0x82: {  	_ =	shalt  }
0x83: {  	_ =	shalt  }
0x84: {  	_ =	shalt  }
0x85: {  	_ =	shalt  }
0x86: {  	_ =	shalt  }
0x87: {  	_ =	shalt  }
.Lfunc_end0:
.L_simem_size_0:
called_computation.1_lowered:
.L_overlay_start_0:
0x88: {  	s2 =	sld [smem:$0x3FD9]  }
0x89: {  	s3 =	sld [smem:$0x3FFE];
	_ =	sdelay $0x1  }
0x8a: {  	s1 =	srdreg.scid  }
0x8b: {  	s0 =	sand.u32 $0x1, s1  }
0x8c: {  	s14 =	sshll.u32 s0, $0xA;
	s2 =	sadd.s32 s3, s2  }
0x8d: {  	s2 =	sadd.s32 s2, s14  }
0x8e: {  	[smem:$0x3FBC] =	sst s2  }
0x8f: {  	_ = 	snop  }
0x90: {  	s2 =	sld [smem:$0x3FD0];
	_ =	sdelay $0x2  }
0x91: {  	s15 =	simm.s32 $0xA;
	s4 =	simm.s32 $0x10  }
0x92: {  	[smem:s4], [sflag:s15] =	dma.local [hbm:s2], $0x1  }
0x93: {  	_ =	swait.eq [sflag:s15], $0x1  }
0x94: {  	[sflag:s15] =	ssyncset.done $0x0  }
0x95: {  	s16 =	sld [smem:$0x10];
	[sflag:s15] =	ssyncadd.s32 $0xFFFFFFFF  }
0x96: {  	s17 =	sld [smem:$0x11];
	(tm) =	ssettm $0x1  }
0x97: {  	s18 =	sld [smem:$0x3FFB];
	_ =	sdelay $0x3  }
0x98: {  	_ =	strace s18  }
0x99: {  	s4 =	sld [smem:$0x3FFC];
	_ =	sdelay $0x3  }
0x9a: {  	_ =	strace s4  }
0x9b: {  	s4 =	sld [smem:$0x3FFD];
	_ =	sdelay $0x3  }
0x9c: {  	_ =	strace s4  }
0x9d: {  	_ =	strace $0x8FFFFFFF  }
0x9e: {  	s19 =	sld [smem:$0x3FDB];
	_ =	sdelay $0x1  }
0x9f: {  	s5 =	simm.s32 $_scs_section_size  }
0xa0: {  	s6 =	simm.s32 $_size__tile_overlayer_lowered;
	s7 =	simm.s32 $_tile_overlayer_lowered  }
0xa1: {  	s22 =	simm.s32 $0x1BFF;
	s21 =	sshll.u32 s7, $0x1;
	s4 =	sadd.s32 s5, s19  }
0xa2: {  	s8 =	simm.s32 $0x0;
	s20 =	sshll.u32 s6, $0x1;
	s6 =	sadd.s32 s21, s4  }
0xa3: {  	[timem:s8], [sflag:s22] =	dma.local [hbm:s6], s20  }
0xa4: {  	_ =	swait.ge [sflag:s22], s20  }
0xa5: {  	s5 =	ssub.s32 $0x0, s20;
	[sflag:s22] =	ssyncset.done $0x0  }
0xa6: {  	[sflag:s22] =	ssyncadd.s32 s5;
	_ =	sdelay $0x1  }
0xa7: {  	s23 =	simm.s32 $0x1B8B  }
0xa8: {  	_ =	swait.ge [sflag:s23], $0x1  }
0xa9: {  	[sflag:s23] =	ssyncset.done $0x0  }
0xaa: {  	s25 =	simm.s32 $0x1B8E;
	s24 =	sld [smem:$0x3FFE];
	[sflag:s23] =	ssyncadd.s32 $0xFFFFFFFF  }
0xab: {  	s26 =	simm.s32 $execute0_lowered;
	[smem:$0x3FD2] =	sst s25  }
0xac: {  	s6 =	sshll.u32 s26, $0x1;
	_ =	strace $0x80000049;
	[dreg:$0x1] =	wrdreg $0xFFFFFFFF  }
0xad: {  	s28 =	simm.s32 $_size_execute0_lowered;
	s4 =	sadd.s32 s4, s6;
	[dreg:$0x0] =	wrdreg $0x0  }
0xae: {  	s6 =	sshll.u32 s28, $0x1;
	[dreg:$0x2] =	wrdreg s4  }
0xaf: {  	[dreg:$0x3] =	wrdreg s6  }
0xb0: {  	[dreg:$0x4] =	wrdreg $0xC0  }
0xb1: {  	_ =	task [dreg:s8], $0x5FFFF  }
0xb2: {  	[dreg:$0x1] =	wrdreg $0xFFFFFFFF  }
0xb3: {  	[dreg:$0x0] =	wrdreg $0x60  }
0xb4: {  	[dreg:$0x2] =	wrdreg s17  }
0xb5: {  	[dreg:$0x3] =	wrdreg s16  }
0xb6: {  	[dreg:$0x4] =	wrdreg s24  }
0xb7: {  	[dreg:$0x5] =	wrdreg $0x82000  }
0xb8: {  	[dreg:$0x6] =	wrdreg $0x9  }
0xb9: {  	_ =	task.clear_ibuf [dreg:s8], $0x7FFFF;
	_ =	strace $0x90000049  }
0xba: {  	s29 =	simm.s32 $0x9;
	_ =	strace $0x8000004B  }
0xbb: {  	_ =	swait.ge [sflag:s29], $0x1  }
0xbc: {  	[sflag:s29] =	ssyncadd.s32 $0xFFFFFFFF  }
0xbd: {  	_ =	strace $0x9000004B  }
0xbe: {  	_ =	sfence  }
0xbf: {  	s30 =	sld [smem:$0x0];
	_ =	sdelay $0x2  }
0xc0: {  	s31 =	sshll.u32 s1, $0xD;
	s1 =	sshrl.u32 s1, $0x2  }
0xc1: {  	s3 =	sand.u32 $0x4000, s31;
	s1 =	sadd.s32 s1, s30  }
0xc2: {  	s0 =	sor.u32 s3, s0;
	s1 =	sshll.u32 s1, $0x11  }
0xc3: {  	s0 =	sor.u32 s1, s0  }
0xc4: {  	s0 =	sadd.s32 $0x8F2B, s0  }
0xc5: {  	[sflag:s0] =	ssyncadd.remote.s32 $0x1  }
0xc6: {  	_ =	sfence.sel $0xFFFF  }
0xc7: {  	[dreg:$0x0] =	wrdreg $0xFFFFFFFF;
	(pc) =	sbr.abs _section_cstart, $3  }
0xc8: {  	[dreg:$0x1] =	wrdreg $0xFFFFFFFF  }
0xc9: {  	_ =	task.clear_ibuf [dreg:s8], $0x2FFFF;
	_ =	strace $0x9FFFFFFF  }
0xca: {  	(tm) =	ssettm $0x7FFFFFFF  }
0xcb: {  	_ =	shalt  }
tec
execute0_lowered:
.L_overlay_start_1:
0x0: {  	(tag) =	ssettag $0x1  }
0x1: {  	s1 =	rddreg [dreg:$0x0]  }
0x2: {  	s0 =	rddreg [dreg:$0x1]  }
0x3: {  	s3 =	rddreg [dreg:$0x2]  }
0x4: {  	s4 =	srdreg.scid;
	s20 =	stileid.u32  }
0x5: {  	s2 =	rddreg [dreg:$0x3];
	s9 =	sand.u32 $0x1, s4;
	s6 =	smul.u32 $0x1F400, s20  }
0x6: {  	s4 =	simm.s32 $0x0;
	s17 =	sadd.s32 $0x3800, s3;
	s11 =	smul.u32 $0x7D000, s20  }
0x7: {  	s22 =	sadd.s32 $0xD600, s3;
	s16 =	smul.u32 $0x9C4, s20;
	p0 =	sgt.u32 s20, $0x9  }
0x8: {  	s5 =	smul.u32 $0x138800, s9;
	[smem:$0x7FF] =	sst s4;
	s7 =	sshll.u32 s9, $0x4  }
0x9: {  	s21 =	ssub.s32 $0x2, s9;
	s14 =	smul.u32 $0x9C40, s9;
	_ =	strace $0x8000004A  }
0xa: {  	s7 =	sor.u32 s20, s7;
	s10 =	sshrl.u32 s21, $0x1;
	[dreg:$0x5] =	wrdreg s22  }
0xb: {  	s11 =	sshrl.u32 s11, $0x2;
	s20 =	simm.s32 $0x1;
	s5 =	sadd.s32 s6, s5  }
0xc: {  	s7 =	smul.u32 $0x9C4, s7;
	s13 =	ssub.s32 s21, s10;
	s28 =	sadd.s32 s11, s2  }
0xd: {  	s30 =	sadd.s32 s16, s14;
	s21 =	simm.s32 $0x80;
	s8 =	sshrl.u32 s5, $0x3  }
0xe: {  	[dreg:$0x8] =	wrdreg s28;
	s13 =	smax.u32 s13, $0x1;
	s14 =	sshrl.u32 s30, $0x5  }
0xf: {  	s3 =	sadd.s32 s8, s3;
	s6 =	sshrl.u32 s7, $0x5;
	s23 =	sadd.s32 $0x9C4, s7  }
0x10: {  	s24 =	sshrl.u32 s7, $0x1;
	s19 =	sshll.u32 s14, $0x4;
	s7 =	sshrl.u32 s23, $0x5  }
0x11: {  	s10 =	sand.u32 $0xFFF0, s24;
	s18 =	sadd.s32 $0x1, s6;
	s12 =	sadd.s32 $0x38800, s3  }
0x12: {  	s23 =	sadd.s32 $0x2, s6;
	s24 =	simm.s32 $0x2;
	s25 =	sadd.s32 s0, s10  }
0x13: {  	s15 =	sshll.u32 s18, $0x4;
	s26 =	sadd.s32 s17, s10;
	s31 =	sshll.u32 s23, $0x4  }
0x14: {  	p1 =	sge.u32 s18, s7;
	p2 =	sge.u32 s6, s7;
	[dreg:$0x6] =	wrdreg s25  }
0x15: {  	[dreg:$0x7] =	wrdreg s26;
	s29 =	sand.u32 $0x1FFFFFF0, s15;
	s15 =	sadd.s32 s17, s15  }
.Ltmp0:
0x16: {  	s16 =	sadd.s32 s0, s31;
	s17 =	sadd.s32 s19, s17;
	(pc) =	sbr.rel .LBB2_1-.Ltmp0, $4  }
0x17: {  	p5 =	sge.u32 @!p2 s18, s7;
	p4 =	sge.u32 @!p2 s23, s7;
	s23 =	simm.s32 $0x3  }
0x18: {  	s25 =	simm.s32 $0x4;
	s26 =	simm.s32 $0x0;
	s11 =	sadd.s32 s0, s29  }
0x19: {  	s0 =	sadd.s32 s19, s0;
	p3 =	por p5, p2;
	p4 =	por p4, p2  }
0x1a: {  	p5 =	por p2, p5;
	s3 =	sadd.s32 $0x30, s0;
	s0 =	sadd.s32 $0x20, s17  }
.LBB2_3:
0x1b: {  	_ =	swait.ge [sflag:s25], $0x4000  }
0x1c: {  	s26 =	sadd.s32 $0x1, s26;
	[sflag:s25] =	ssyncset.done $0x0  }
0x1d: {  	p6 =	sne.s32 s26, s13;
	[sflag:s25] =	ssyncadd.s32 $0xFFFFC000  }
.Ltmp1:
0x1e: {  	[bflag:$0x0] =	sbarrier.arrive $0xFFFF;
	(pc) =	sbr.rel @!p6 .LBB2_4-.Ltmp1, $4  }
0x1f: {  	[hbm:s12], [sflag:s29] =	dma.local @!p0 [spmem:s30], $0x3E80  }
0x20: {  	_ =	swait.ge @!p0 [sflag:s28], $0x3E80  }
0x21: {  	[sflag:s28] =	ssyncset.done @!p0 $0x0  }
0x22: {  	[sflag:s28] =	ssyncadd.s32 @!p0 $0xFFFFC180  }
.LBB2_1:
0x23: {  	s5 =	rddreg [dreg:$0x6]  }
0x24: {  	[tilespmem:s4], [sflag:$0x1] =	stream.linear.gather [hbm4b:s5+s4], $0x80, $0x38;
	[tilespmem:$0x1BA80] =	vst v63  }
0x25: {  	s19 =	rddreg [dreg:$0x7];
	s8 =	simm.s32 $0x100;
	s5 =	stileid.u32  }
0x26: {  	s28 =	simm.s32 @!p0 $0x5;
	s17 =	sshll.u32 @!p0 s5, $0x6;
	s5 =	rddreg [dreg:$0x8]  }
0x27: {  	[tilespmem:s8], [sflag:$0x2] =	stream.linear.gather [hbm4b:s19+s4], $0x80, $0x38;
	[tilespmem:$0x1BA80] =	vst v63  }
0x28: {  	s29 =	sor.u32 @!p0 $0x1C05, s17;
	s30 =	sshrl.u32 @!p0 s5, $0x3;
	s5 =	rddreg [dreg:$0x5]  }
0x29: {  	[spmem:s30], [sflag:s29] =	dma.local @!p0 [hbm:s5], $0x3E80  }
0x2a: {  	_ =	swait.ge @!p0 [sflag:s28], $0x3E80  }
0x2b: {  	[sflag:s28] =	ssyncset.done @!p0 $0x0  }
0x2c: {  	[sflag:s28] =	ssyncadd.s32 @!p0 $0xFFFFC180  }
0x2d: {  	_ =	swait.ge [sflag:s20], $0x80  }
0x2e: {  	[sflag:s20] =	ssyncset.done $0x0  }
0x2f: {  	s22 =	simm.s32 $0x200;
	[sflag:s20] =	ssyncadd.s32 $0xFFFFFF80  }
0x30: {  	[tilespmem:s22], [sflag:$0x3] =	stream.indirect.gather [hbm4b:s1+s21], $0x80, s4, s21, $0xb8;
	[tilespmem:$0x1BA80] =	vst v63  }
0x31: {  	s18 =	simm.s32 @!p1 $0x80;
	s17 =	simm.s32 @!p1 $0x0  }
0x32: {  	[tilespmem:s18], [sflag:$0x1] =	stream.linear.gather @!p1 [hbm4b:s11+s17], $0x80, $0x38;
	[tilespmem:$0x1BA80] =	vst v63  }
0x33: {  	s17 =	simm.s32 @!p2 $0x3;
	[bflag:$0x0] =	sbarrier.arrive $0xFFFF  }
0x34: {  	_ =	swait.ge @!p2 [sflag:s17], $0x4000  }
0x35: {  	[sflag:s17] =	ssyncset.done @!p2 $0x0  }
0x36: {  	[sflag:s17] =	ssyncadd.s32 @!p2 $0xFFFFC000;
	s17 =	simm.s32 @!p2 $0x2  }
0x37: {  	_ =	swait.ge @!p2 [sflag:s17], $0x80  }
0x38: {  	s31 =	simm.s32 @!p2 $0x200;
	[sflag:s17] =	ssyncset.done @!p2 $0x0  }
0x39: {  	s18 =	simm.s32 @!p2 $0x100;
	[sflag:s17] =	ssyncadd.s32 @!p2 $0xFFFFFF80;
	s17 =	simm.s32 @!p2 $0x80  }
0x3a: {  	[spmem:s2] =	stream.indirect.scatter.add.f32 @!p2 [tilespmem:s31], [sflag:$0x4], $0x80, s18, s17, $0xb8;
	[tilespmem:$0x1BA80] =	vst v63  }
0x3b: {  	s17 =	simm.s32 @!p3 $0x0;
	s18 =	simm.s32 @!p3 $0x180  }
0x3c: {  	[tilespmem:s18], [sflag:$0x2] =	stream.linear.gather @!p3 [hbm4b:s15+s17], $0x80, $0x38;
	[tilespmem:$0x1BA80] =	vst v63  }
0x3d: {  	s17 =	simm.s32 @!p3 $0x1  }
0x3e: {  	_ =	swait.ge @!p3 [sflag:s17], $0x80  }
0x3f: {  	s18 =	simm.s32 @!p3 $0x4200;
	[sflag:s17] =	ssyncset.done @!p3 $0x0  }
.Ltmp2:
0x40: {  	[sflag:s17] =	ssyncadd.s32 @!p3 $0xFFFFFF80;
	s17 =	simm.s32 @!p3 $0x80;
	(pc) =	sbr.rel @p5 .LBB2_3-.Ltmp2, $4  }
0x41: {  	[tilespmem:s18], [sflag:$0x3] =	stream.indirect.gather @!p3 [hbm4b:s1+s17], $0x80, s17, s17, $0xb8;
	[tilespmem:$0x1BA80] =	vst v63  }
0x42: {  	s17 =	simm.s32 @!p4 $0x0  }
0x43: {  	[tilespmem:s17], [sflag:$0x1] =	stream.linear.gather @!p4 [hbm4b:s16+s17], $0x80, $0x38;
	[tilespmem:$0x1BA80] =	vst v63  }
0x44: {  	s31 =	simm.s32 @!p2 $0x0;
	s18 =	smov.u32 s0;
	s17 =	smov.u32 s3  }
.LBB2_2:
0x45: {  	s19 =	sadd.s32 s31, s14  }
0x46: {  	_ =	swait.ge [sflag:s23], $0x4000;
	s22 =	sadd.s32 $0x1, s19  }
0x47: {  	[sflag:s23] =	ssyncset.done $0x0;
	p6 =	sle.u32 s22, s6  }
0x48: {  	[sflag:s23] =	ssyncadd.s32 $0xFFFFC000;
	s22 =	simm.s32 @!p6 $0x4  }
0x49: {  	_ =	swait.ge @!p6 [sflag:s22], $0x4000  }
0x4a: {  	s5 =	sxor.u32 $0xFFFFFFFF, s31;
	[sflag:s22] =	ssyncset.done @!p6 $0x0  }
0x4b: {  	s5 =	sand.u32 $0x1, s5;
	s10 =	sadd.s32 $0x2, s19;
	[sflag:s22] =	ssyncadd.s32 @!p6 $0xFFFFC000  }
0x4c: {  	s9 =	sshll.u32 s5, $0xE;
	s8 =	sshll.u32 s5, $0x7;
	_ =	swait.ge [sflag:s24], $0x80  }
0x4d: {  	s22 =	sor.u32 $0x200, s9;
	p6 =	sge.u32 s10, s7;
	[sflag:s24] =	ssyncset.done $0x0  }
0x4e: {  	s9 =	sor.u32 $0x100, s8;
	s5 =	sxor.u32 @!p6 $0x1, s5;
	[sflag:s24] =	ssyncadd.s32 $0xFFFFFF80  }
0x4f: {  	[spmem:s2] =	stream.indirect.scatter.add.f32 [tilespmem:s22], [sflag:$0x4], $0x80, s9, s21, $0xb8;
	[tilespmem:$0x1BA80] =	vst v63  }
0x50: {  	s9 =	sshll.u32 @!p6 s5, $0x7  }
0x51: {  	s10 =	simm.s32 @!p6 $0x0;
	s22 =	sor.u32 @!p6 $0x100, s9  }
0x52: {  	[tilespmem:s22], [sflag:$0x2] =	stream.linear.gather @!p6 [hbm4b:s18+s10], $0x80, $0x38;
	[tilespmem:$0x1BA80] =	vst v63  }
0x53: {  	s10 =	simm.s32 @!p6 $0x1  }
0x54: {  	_ =	swait.ge @!p6 [sflag:s10], $0x80  }
0x55: {  	s19 =	sadd.s32 $0x3, s19;
	s5 =	sshll.u32 @!p6 s5, $0xE;
	[sflag:s10] =	ssyncset.done @!p6 $0x0  }
0x56: {  	s5 =	sor.u32 @!p6 $0x200, s5;
	[sflag:s10] =	ssyncadd.s32 @!p6 $0xFFFFFF80;
	s10 =	simm.s32 @!p6 $0x80  }
0x57: {  	[tilespmem:s5], [sflag:$0x3] =	stream.indirect.gather @!p6 [hbm4b:s1+s10], $0x80, s9, s10, $0xb8;
	[tilespmem:$0x1BA80] =	vst v63  }
0x58: {  	s31 =	sadd.s32 $0x1, s31;
	p6 =	sge.u32 s19, s7  }
0x59: {  	s22 =	sadd.s32 s31, s14;
	s5 =	simm.s32 @!p6 $0x0  }
0x5a: {  	[tilespmem:s8], [sflag:$0x1] =	stream.linear.gather @!p6 [hbm4b:s17+s5], $0x80, $0x38;
	[tilespmem:$0x1BA80] =	vst v63  }
0x5b: {  	s5 =	sadd.s32 $0x1, s22  }
0x5c: {  	p6 =	slt.u32 s5, s7  }
.Ltmp3:
0x5d: {  	_ = 	snop;
	(pc) =	sbr.rel @p6 .LBB2_2-.Ltmp3, $2  }
0x5e: {  	_ =	sdelay $0x2  }
0x5f: {  	s18 =	sadd.s32 $0x10, s18;
	s17 =	sadd.s32 $0x10, s17  }
.Ltmp4:
0x60: {  	_ = 	snop;
	(pc) =	sbr.rel .LBB2_3-.Ltmp4, $1  }
0x61: {  	_ =	sdelay $0x3  }
.LBB2_4:
0x62: {  	_ =	sfence.sel $0x180000  }
0x63: {  	[bflag:$0x0] =	sbarrier.arrive $0xFFFF  }
0x64: {  	_ =	strace $0x9000004A  }
0x65: {  	s0 =	stileid.u32;
	[bflag:$0x2] =	sbarrier.arrive $0xFFFF  }
0x66: {  	p0 =	sne.s32 s0, $0x0;
	s0 =	rddreg [dreg:$0x4]  }
0x67: {  	s0 =	sadd.s32 @!p0 $0x100000, s0  }
0x68: {  	[sflag:s0] =	ssyncadd.tile.s32 @!p0 $0x1;
	_ =	shalt  }
.Lfunc_end2:
_tile_overlayer_lowered:
.L_overlay_start_2:
0x69: {  	(tag) =	ssettag $0x2  }
0x6a: {  	s0 =	rddreg [dreg:$0x0];
	s2 =	stileid.u32  }
0x6b: {  	s1 =	rddreg [dreg:$0x1];
	p0 =	sne.s32 s2, $0x0  }
0x6c: {  	s3 =	rddreg [dreg:$0x2];
	[bflag:$0x3] =	sbarrier.arrive $0xFFFF;
	s2 =	simm.s32 @!p0 $0x1C05  }
0x6d: {  	[timem:s3], [sflag:s2] =	dma.local @!p0 [hbm:s0], s1  }
0x6e: {  	s0 =	simm.s32 @!p0 $0x5  }
0x6f: {  	_ =	swait.ge @!p0 [sflag:s0], s1  }
0x70: {  	s1 =	ssub.s32 @!p0 $0x0, s1;
	[sflag:s0] =	ssyncset.done @!p0 $0x0  }
0x71: {  	[sflag:s0] =	ssyncadd.s32 @!p0 s1  }
0x72: {  	[bflag:$0x3] =	sbarrier.arrive $0xFFFF  }
0x73: {  	_ =	shalt  }

// kernel: kernel.14.cloned.1.call-start
scs
__scs_entry_jumppad:
0x0: {  	(pc) =	sbr.rel $0x88, $3  }
0x1: {  	(tag) =	ssettag $0x0;
	lr =	simm.s32 $0x1  }
0x2: {  	[smem:$0x3F95] =	sst lr;
	_ =	strace $0xD0000000  }
0x3: {  	_ = 	snop  }
0x4: {  	_ = 	snop  }
0x5: {  	_ = 	snop  }
0x6: {  	_ = 	snop  }
0x7: {  	_ = 	snop  }
__scs_overlays_trampoline_lowered:
0x8: {  	[smem:$0x3FA4] =	sst s0  }
0x9: {  	[smem:$0x3FA5] =	sst s1  }
0xa: {  	[smem:$0x3FA6] =	sst s2  }
0xb: {  	[smem:$0x3FA7] =	sst s3  }
0xc: {  	[smem:$0x3FA8] =	sst s4  }
0xd: {  	[smem:$0x3FA9] =	sst s5  }
0xe: {  	[smem:$0x3FAA] =	sst s6  }
0xf: {  	[smem:$0x3FAB] =	sst s7  }
0x10: {  	[smem:$0x3FAC] =	sst s8  }
0x11: {  	[smem:$0x3FAD] =	sst s9;
	s0 =	simm.s32 @!p0 $0x0  }
0x12: {  	s1 =	sld [smem:$0x3F93];
	s0 =	simm.s32 @p0 $0x1  }
0x13: {  	[smem:$0x3FAE] =	sst s0;
	s0 =	simm.s32 @!p1 $0x0  }
0x14: {  	s2 =	sld [smem:$0x3F92];
	s0 =	simm.s32 @p1 $0x1  }
0x15: {  	[smem:$0x3FAF] =	sst s0;
	s0 =	simm.s32 @!p2 $0x0  }
0x16: {  	s3 =	sld [smem:$0x3FDB];
	s0 =	simm.s32 @p2 $0x1  }
0x17: {  	s4 =	simm.s32 $0x1BF5;
	[smem:$0x3FB1] =	sst s0  }
0x18: {  	s0 =	sld [smem:$0x3F94];
	_ =	swait.ge [sflag:s4], $0x0  }
0x19: {  	s7 =	sld [smem:$0x3F95]  }
0x1a: {  	s8 =	sadd.s32 $0xFFFFE003, lr  }
0x1b: {  	s9 =	sadd.s32 $0xFFFFFEF7, lr;
	s5 =	simm.s32 $0xFFFFFFFF;
	p2 =	slt.u32 s8, $0xFFFFF086  }
0x1c: {  	p1 =	slt.u32 s9, $0xF7A;
	s5 =	simm.s32 @!p2 $0x0  }
0x1d: {  	s5 =	simm.s32 @p1 $0x1;
	p0 =	seq.s32 s7, s2  }
0x1e: {  	s7 =	smul.u32 @!p0 $0xF7A, s2;
	p2 =	seq.s32 @!p0 s5, $0x0  }
0x1f: {  	s9 =	smul.u32 $0xF7A, s1;
	s8 =	simm.s32 @!p0 $0x1BF5;
	p2 =	por !p2, p0  }
0x20: {  	[sflag:s8] =	ssyncset.s32 @!p0 $0xFFFFF086;
	s6 =	sadd.s32 @!p0 s3, s7;
	s7 =	simm.s32 @!p0 $0x108  }
0x21: {  	s3 =	sadd.s32 s3, s9;
	s6 =	sadd.s32 @!p0 $0x88, s6;
	s7 =	simm.s32 @p2 $0x1082  }
0x22: {  	[simem:s7], [sflag:s8] =	dma.local @!p0 [hbm:s6], $0xF7A  }
0x23: {  	s9 =	sor.u32 $0xD0000000, s2;
	s6 =	simm.s32 $0x108;
	_ =	swait.ge @!p0 [sflag:s8], $0x0  }
0x24: {  	s3 =	sadd.s32 $0x88, s3;
	s6 =	simm.s32 @!p1 $0x1082;
	[sflag:s4] =	ssyncset.s32 $0xFFFFF086  }
0x25: {  	[simem:s6], [sflag:s4] =	dma.local [hbm:s3], $0xF7A  }
0x26: {  	[smem:$0x3F95] =	sst s1;
	(tag) =	ssettag s2;
	_ =	strace s9  }
0x27: {  	s1 =	sld [smem:$0x3FA5]  }
0x28: {  	s2 =	sld [smem:$0x3FA6]  }
0x29: {  	s4 =	sld [smem:$0x3FA8]  }
0x2a: {  	p0 =	seq.s32 s5, $0x0;
	s5 =	sld [smem:$0x3FA9]  }
0x2b: {  	s6 =	sld [smem:$0x3FAA]  }
0x2c: {  	s7 =	sld [smem:$0x3FAB]  }
0x2d: {  	s3 =	simm.s32 $0x108;
	s8 =	sld [smem:$0x3FAC]  }
0x2e: {  	s3 =	simm.s32 @!p0 $0x1082;
	s9 =	sld [smem:$0x3FAD]  }
0x2f: {  	lr =	sadd.s32 s0, s3;
	s0 =	sld [smem:$0x3FA4]  }
0x30: {  	s3 =	sld [smem:$0x3FA7]  }
0x31: {  	[smem:$0x3FB0] =	sst s10  }
0x32: {  	s10 =	sld [smem:$0x3FAE];
	_ =	sdelay $0x3  }
0x33: {  	p0 =	seq.s32 s10, $0x1;
	s10 =	sld [smem:$0x3FB0];
	_ =	sdelay $0x3  }
0x34: {  	[smem:$0x3FB0] =	sst s10  }
0x35: {  	s10 =	sld [smem:$0x3FAF];
	_ =	sdelay $0x3  }
0x36: {  	p1 =	seq.s32 s10, $0x1;
	s10 =	sld [smem:$0x3FB0];
	_ =	sdelay $0x3  }
0x37: {  	[smem:$0x3FB0] =	sst s10  }
0x38: {  	s10 =	sld [smem:$0x3FB1]  }
0x39: {  	_ = 	snop;
	(pc) =	sbr.ind lr, $3  }
0x3a: {  	_ = 	snop  }
0x3b: {  	_ = 	snop  }
0x3c: {  	p2 =	seq.s32 s10, $0x1;
	s10 =	sld [smem:$0x3FB0]  }
0x3d: {  	_ =	shalt  }
0x3e: {  	_ =	shalt  }
0x3f: {  	_ =	shalt  }
0x40: {  	_ =	shalt  }
0x41: {  	_ =	shalt  }
0x42: {  	_ =	shalt  }
0x43: {  	_ =	shalt  }
0x44: {  	_ =	shalt  }
0x45: {  	_ =	shalt  }
0x46: {  	_ =	shalt  }
0x47: {  	_ =	shalt  }
0x48: {  	_ =	shalt  }
0x49: {  	_ =	shalt  }
0x4a: {  	_ =	shalt  }
0x4b: {  	_ =	shalt  }
0x4c: {  	_ =	shalt  }
0x4d: {  	_ =	shalt  }
0x4e: {  	_ =	shalt  }
0x4f: {  	_ =	shalt  }
0x50: {  	_ =	shalt  }
0x51: {  	_ =	shalt  }
0x52: {  	_ =	shalt  }
0x53: {  	_ =	shalt  }
0x54: {  	_ =	shalt  }
0x55: {  	_ =	shalt  }
0x56: {  	_ =	shalt  }
0x57: {  	_ =	shalt  }
0x58: {  	_ =	shalt  }
0x59: {  	_ =	shalt  }
0x5a: {  	_ =	shalt  }
0x5b: {  	_ =	shalt  }
0x5c: {  	_ =	shalt  }
0x5d: {  	_ =	shalt  }
0x5e: {  	_ =	shalt  }
0x5f: {  	_ =	shalt  }
0x60: {  	_ =	shalt  }
0x61: {  	_ =	shalt  }
0x62: {  	_ =	shalt  }
0x63: {  	_ =	shalt  }
0x64: {  	_ =	shalt  }
0x65: {  	_ =	shalt  }
0x66: {  	_ =	shalt  }
0x67: {  	_ =	shalt  }
0x68: {  	_ =	shalt  }
0x69: {  	_ =	shalt  }
0x6a: {  	_ =	shalt  }
0x6b: {  	_ =	shalt  }
0x6c: {  	_ =	shalt  }
0x6d: {  	_ =	shalt  }
0x6e: {  	_ =	shalt  }
0x6f: {  	_ =	shalt  }
0x70: {  	_ =	shalt  }
0x71: {  	_ =	shalt  }
0x72: {  	_ =	shalt  }
0x73: {  	_ =	shalt  }
0x74: {  	_ =	shalt  }
0x75: {  	_ =	shalt  }
0x76: {  	_ =	shalt  }
0x77: {  	_ =	shalt  }
0x78: {  	_ =	shalt  }
0x79: {  	_ =	shalt  }
0x7a: {  	_ =	shalt  }
0x7b: {  	_ =	shalt  }
0x7c: {  	_ =	shalt  }
0x7d: {  	_ =	shalt  }
0x7e: {  	_ =	shalt  }
0x7f: {  	_ =	shalt  }
0x80: {  	_ =	shalt  }
0x81: {  	_ =	shalt  }
0x82: {  	_ =	shalt  }
0x83: {  	_ =	shalt  }
0x84: {  	_ =	shalt  }
0x85: {  	_ =	shalt  }
0x86: {  	_ =	shalt  }
0x87: {  	_ =	shalt  }
.Lfunc_end0:
.L_simem_size_0:
called_computation.2_lowered:
.L_overlay_start_0:
0x88: {  	s2 =	sld [smem:$0x3FD9]  }
0x89: {  	s3 =	sld [smem:$0x3FFE];
	_ =	sdelay $0x1  }
0x8a: {  	s1 =	srdreg.scid  }
0x8b: {  	s0 =	sand.u32 $0x1, s1  }
0x8c: {  	s14 =	sshll.u32 s0, $0xA;
	s2 =	sadd.s32 s3, s2  }
0x8d: {  	s2 =	sadd.s32 s2, s14  }
0x8e: {  	[smem:$0x3FBC] =	sst s2  }
0x8f: {  	_ = 	snop  }
0x90: {  	s2 =	sld [smem:$0x3FD0];
	_ =	sdelay $0x2  }
0x91: {  	s15 =	simm.s32 $0xA;
	s4 =	simm.s32 $0x10  }
0x92: {  	[smem:s4], [sflag:s15] =	dma.local [hbm:s2], $0x1  }
0x93: {  	_ =	swait.eq [sflag:s15], $0x1  }
0x94: {  	[sflag:s15] =	ssyncset.done $0x0  }
0x95: {  	s16 =	sld [smem:$0x10];
	[sflag:s15] =	ssyncadd.s32 $0xFFFFFFFF  }
0x96: {  	s17 =	sld [smem:$0x11];
	(tm) =	ssettm $0x1  }
0x97: {  	s18 =	sld [smem:$0x3FFB];
	_ =	sdelay $0x3  }
0x98: {  	_ =	strace s18  }
0x99: {  	s4 =	sld [smem:$0x3FFC];
	_ =	sdelay $0x3  }
0x9a: {  	_ =	strace s4  }
0x9b: {  	s4 =	sld [smem:$0x3FFD];
	_ =	sdelay $0x3  }
0x9c: {  	_ =	strace s4  }
0x9d: {  	_ =	strace $0x8FFFFFFF  }
0x9e: {  	s19 =	sld [smem:$0x3FDB];
	_ =	sdelay $0x1  }
0x9f: {  	s5 =	simm.s32 $_scs_section_size  }
0xa0: {  	s6 =	simm.s32 $_size__tile_overlayer_lowered;
	s7 =	simm.s32 $_tile_overlayer_lowered  }
0xa1: {  	s22 =	simm.s32 $0x1BFF;
	s21 =	sshll.u32 s7, $0x1;
	s4 =	sadd.s32 s5, s19  }
0xa2: {  	s8 =	simm.s32 $0x0;
	s20 =	sshll.u32 s6, $0x1;
	s6 =	sadd.s32 s21, s4  }
0xa3: {  	[timem:s8], [sflag:s22] =	dma.local [hbm:s6], s20  }
0xa4: {  	_ =	swait.ge [sflag:s22], s20  }
0xa5: {  	s5 =	ssub.s32 $0x0, s20;
	[sflag:s22] =	ssyncset.done $0x0  }
0xa6: {  	[sflag:s22] =	ssyncadd.s32 s5;
	_ =	sdelay $0x1  }
0xa7: {  	s23 =	simm.s32 $0x1B8B  }
0xa8: {  	_ =	swait.ge [sflag:s23], $0x1  }
0xa9: {  	[sflag:s23] =	ssyncset.done $0x0  }
0xaa: {  	s25 =	simm.s32 $0x1B8E;
	s24 =	sld [smem:$0x3FFE];
	[sflag:s23] =	ssyncadd.s32 $0xFFFFFFFF  }
0xab: {  	s26 =	simm.s32 $execute0_lowered;
	[smem:$0x3FD2] =	sst s25  }
0xac: {  	s6 =	sshll.u32 s26, $0x1;
	_ =	strace $0x8000004C;
	[dreg:$0x1] =	wrdreg $0xFFFFFFFF  }
0xad: {  	s28 =	simm.s32 $_size_execute0_lowered;
	s4 =	sadd.s32 s4, s6;
	[dreg:$0x0] =	wrdreg $0x0  }
0xae: {  	s6 =	sshll.u32 s28, $0x1;
	[dreg:$0x2] =	wrdreg s4  }
0xaf: {  	[dreg:$0x3] =	wrdreg s6  }
0xb0: {  	[dreg:$0x4] =	wrdreg $0xC0  }
0xb1: {  	_ =	task [dreg:s8], $0x5FFFF  }
0xb2: {  	[dreg:$0x1] =	wrdreg $0xFFFFFFFF  }
0xb3: {  	[dreg:$0x0] =	wrdreg $0x60  }
0xb4: {  	[dreg:$0x2] =	wrdreg s17  }
0xb5: {  	[dreg:$0x3] =	wrdreg s16  }
0xb6: {  	[dreg:$0x4] =	wrdreg s24  }
0xb7: {  	[dreg:$0x5] =	wrdreg $0x82000  }
0xb8: {  	[dreg:$0x6] =	wrdreg $0x9  }
0xb9: {  	_ =	task.clear_ibuf [dreg:s8], $0x7FFFF;
	_ =	strace $0x9000004C  }
0xba: {  	s29 =	simm.s32 $0x9;
	_ =	strace $0x8000004E  }
0xbb: {  	_ =	swait.ge [sflag:s29], $0x1  }
0xbc: {  	[sflag:s29] =	ssyncadd.s32 $0xFFFFFFFF  }
0xbd: {  	_ =	strace $0x9000004E  }
0xbe: {  	_ =	sfence  }
0xbf: {  	s30 =	sld [smem:$0x0];
	_ =	sdelay $0x2  }
0xc0: {  	s31 =	sshll.u32 s1, $0xD;
	s1 =	sshrl.u32 s1, $0x2  }
0xc1: {  	s3 =	sand.u32 $0x4000, s31;
	s1 =	sadd.s32 s1, s30  }
0xc2: {  	s0 =	sor.u32 s3, s0;
	s1 =	sshll.u32 s1, $0x11  }
0xc3: {  	s0 =	sor.u32 s1, s0  }
0xc4: {  	s0 =	sadd.s32 $0x8F2B, s0  }
0xc5: {  	[sflag:s0] =	ssyncadd.remote.s32 $0x1  }
0xc6: {  	_ =	sfence.sel $0xFFFF  }
0xc7: {  	[dreg:$0x0] =	wrdreg $0xFFFFFFFF;
	(pc) =	sbr.abs _section_cstart, $3  }
0xc8: {  	[dreg:$0x1] =	wrdreg $0xFFFFFFFF  }
0xc9: {  	_ =	task.clear_ibuf [dreg:s8], $0x2FFFF;
	_ =	strace $0x9FFFFFFF  }
0xca: {  	(tm) =	ssettm $0x7FFFFFFF  }
0xcb: {  	_ =	shalt  }
tec
execute0_lowered:
.L_overlay_start_1:
0x0: {  	(tag) =	ssettag $0x1  }
0x1: {  	s1 =	rddreg [dreg:$0x0]  }
0x2: {  	s0 =	rddreg [dreg:$0x1]  }
0x3: {  	s3 =	rddreg [dreg:$0x2]  }
0x4: {  	s4 =	srdreg.scid;
	s20 =	stileid.u32  }
0x5: {  	s2 =	rddreg [dreg:$0x3];
	s9 =	sand.u32 $0x1, s4;
	s6 =	smul.u32 $0x1F400, s20  }
0x6: {  	s4 =	simm.s32 $0x0;
	s17 =	sadd.s32 $0x3800, s3;
	s11 =	smul.u32 $0x7D000, s20  }
0x7: {  	s22 =	sadd.s32 $0xD600, s3;
	s16 =	smul.u32 $0x9C4, s20;
	p0 =	sgt.u32 s20, $0x9  }
0x8: {  	s5 =	smul.u32 $0x138800, s9;
	[smem:$0x7FF] =	sst s4;
	s7 =	sshll.u32 s9, $0x4  }
0x9: {  	s21 =	ssub.s32 $0x2, s9;
	s14 =	smul.u32 $0x9C40, s9;
	_ =	strace $0x8000004D  }
0xa: {  	s7 =	sor.u32 s20, s7;
	s10 =	sshrl.u32 s21, $0x1;
	[dreg:$0x5] =	wrdreg s22  }
0xb: {  	s11 =	sshrl.u32 s11, $0x2;
	s20 =	simm.s32 $0x1;
	s5 =	sadd.s32 s6, s5  }
0xc: {  	s7 =	smul.u32 $0x9C4, s7;
	s13 =	ssub.s32 s21, s10;
	s28 =	sadd.s32 s11, s2  }
0xd: {  	s30 =	sadd.s32 s16, s14;
	s21 =	simm.s32 $0x80;
	s8 =	sshrl.u32 s5, $0x3  }
0xe: {  	[dreg:$0x8] =	wrdreg s28;
	s13 =	smax.u32 s13, $0x1;
	s14 =	sshrl.u32 s30, $0x5  }
0xf: {  	s3 =	sadd.s32 s8, s3;
	s6 =	sshrl.u32 s7, $0x5;
	s23 =	sadd.s32 $0x9C4, s7  }
0x10: {  	s24 =	sshrl.u32 s7, $0x1;
	s19 =	sshll.u32 s14, $0x4;
	s7 =	sshrl.u32 s23, $0x5  }
0x11: {  	s10 =	sand.u32 $0xFFF0, s24;
	s18 =	sadd.s32 $0x1, s6;
	s12 =	sadd.s32 $0x38800, s3  }
0x12: {  	s23 =	sadd.s32 $0x2, s6;
	s24 =	simm.s32 $0x2;
	s25 =	sadd.s32 s0, s10  }
0x13: {  	s15 =	sshll.u32 s18, $0x4;
	s26 =	sadd.s32 s17, s10;
	s31 =	sshll.u32 s23, $0x4  }
0x14: {  	p1 =	sge.u32 s18, s7;
	p2 =	sge.u32 s6, s7;
	[dreg:$0x6] =	wrdreg s25  }
0x15: {  	[dreg:$0x7] =	wrdreg s26;
	s29 =	sand.u32 $0x1FFFFFF0, s15;
	s15 =	sadd.s32 s17, s15  }
.Ltmp0:
0x16: {  	s16 =	sadd.s32 s0, s31;
	s17 =	sadd.s32 s19, s17;
	(pc) =	sbr.rel .LBB2_1-.Ltmp0, $4  }
0x17: {  	p5 =	sge.u32 @!p2 s18, s7;
	p4 =	sge.u32 @!p2 s23, s7;
	s23 =	simm.s32 $0x3  }
0x18: {  	s25 =	simm.s32 $0x4;
	s26 =	simm.s32 $0x0;
	s11 =	sadd.s32 s0, s29  }
0x19: {  	s0 =	sadd.s32 s19, s0;
	p3 =	por p5, p2;
	p4 =	por p4, p2  }
0x1a: {  	p5 =	por p2, p5;
	s3 =	sadd.s32 $0x30, s0;
	s0 =	sadd.s32 $0x20, s17  }
.LBB2_3:
0x1b: {  	_ =	swait.ge [sflag:s25], $0x4000  }
0x1c: {  	s26 =	sadd.s32 $0x1, s26;
	[sflag:s25] =	ssyncset.done $0x0  }
0x1d: {  	p6 =	sne.s32 s26, s13;
	[sflag:s25] =	ssyncadd.s32 $0xFFFFC000  }
.Ltmp1:
0x1e: {  	[bflag:$0x0] =	sbarrier.arrive $0xFFFF;
	(pc) =	sbr.rel @!p6 .LBB2_4-.Ltmp1, $4  }
0x1f: {  	[hbm:s12], [sflag:s29] =	dma.local @!p0 [spmem:s30], $0x3E80  }
0x20: {  	_ =	swait.ge @!p0 [sflag:s28], $0x3E80  }
0x21: {  	[sflag:s28] =	ssyncset.done @!p0 $0x0  }
0x22: {  	[sflag:s28] =	ssyncadd.s32 @!p0 $0xFFFFC180  }
.LBB2_1:
0x23: {  	s5 =	rddreg [dreg:$0x6]  }
0x24: {  	[tilespmem:s4], [sflag:$0x1] =	stream.linear.gather [hbm4b:s5+s4], $0x80, $0x38;
	[tilespmem:$0x1BA80] =	vst v63  }
0x25: {  	s19 =	rddreg [dreg:$0x7];
	s8 =	simm.s32 $0x100;
	s5 =	stileid.u32  }
0x26: {  	s28 =	simm.s32 @!p0 $0x5;
	s17 =	sshll.u32 @!p0 s5, $0x6;
	s5 =	rddreg [dreg:$0x8]  }
0x27: {  	[tilespmem:s8], [sflag:$0x2] =	stream.linear.gather [hbm4b:s19+s4], $0x80, $0x38;
	[tilespmem:$0x1BA80] =	vst v63  }
0x28: {  	s29 =	sor.u32 @!p0 $0x1C05, s17;
	s30 =	sshrl.u32 @!p0 s5, $0x3;
	s5 =	rddreg [dreg:$0x5]  }
0x29: {  	[spmem:s30], [sflag:s29] =	dma.local @!p0 [hbm:s5], $0x3E80  }
0x2a: {  	_ =	swait.ge @!p0 [sflag:s28], $0x3E80  }
0x2b: {  	[sflag:s28] =	ssyncset.done @!p0 $0x0  }
0x2c: {  	[sflag:s28] =	ssyncadd.s32 @!p0 $0xFFFFC180  }
0x2d: {  	_ =	swait.ge [sflag:s20], $0x80  }
0x2e: {  	[sflag:s20] =	ssyncset.done $0x0  }
0x2f: {  	s22 =	simm.s32 $0x200;
	[sflag:s20] =	ssyncadd.s32 $0xFFFFFF80  }
0x30: {  	[tilespmem:s22], [sflag:$0x3] =	stream.indirect.gather [hbm4b:s1+s21], $0x80, s4, s21, $0xb8;
	[tilespmem:$0x1BA80] =	vst v63  }
0x31: {  	s18 =	simm.s32 @!p1 $0x80;
	s17 =	simm.s32 @!p1 $0x0  }
0x32: {  	[tilespmem:s18], [sflag:$0x1] =	stream.linear.gather @!p1 [hbm4b:s11+s17], $0x80, $0x38;
	[tilespmem:$0x1BA80] =	vst v63  }
0x33: {  	s17 =	simm.s32 @!p2 $0x3;
	[bflag:$0x0] =	sbarrier.arrive $0xFFFF  }
0x34: {  	_ =	swait.ge @!p2 [sflag:s17], $0x4000  }
0x35: {  	[sflag:s17] =	ssyncset.done @!p2 $0x0  }
0x36: {  	[sflag:s17] =	ssyncadd.s32 @!p2 $0xFFFFC000;
	s17 =	simm.s32 @!p2 $0x2  }
0x37: {  	_ =	swait.ge @!p2 [sflag:s17], $0x80  }
0x38: {  	s31 =	simm.s32 @!p2 $0x200;
	[sflag:s17] =	ssyncset.done @!p2 $0x0  }
0x39: {  	s18 =	simm.s32 @!p2 $0x100;
	[sflag:s17] =	ssyncadd.s32 @!p2 $0xFFFFFF80;
	s17 =	simm.s32 @!p2 $0x80  }
0x3a: {  	[spmem:s2] =	stream.indirect.scatter.add.f32 @!p2 [tilespmem:s31], [sflag:$0x4], $0x80, s18, s17, $0xb8;
	[tilespmem:$0x1BA80] =	vst v63  }
0x3b: {  	s17 =	simm.s32 @!p3 $0x0;
	s18 =	simm.s32 @!p3 $0x180  }
0x3c: {  	[tilespmem:s18], [sflag:$0x2] =	stream.linear.gather @!p3 [hbm4b:s15+s17], $0x80, $0x38;
	[tilespmem:$0x1BA80] =	vst v63  }
0x3d: {  	s17 =	simm.s32 @!p3 $0x1  }
0x3e: {  	_ =	swait.ge @!p3 [sflag:s17], $0x80  }
0x3f: {  	s18 =	simm.s32 @!p3 $0x4200;
	[sflag:s17] =	ssyncset.done @!p3 $0x0  }
.Ltmp2:
0x40: {  	[sflag:s17] =	ssyncadd.s32 @!p3 $0xFFFFFF80;
	s17 =	simm.s32 @!p3 $0x80;
	(pc) =	sbr.rel @p5 .LBB2_3-.Ltmp2, $4  }
0x41: {  	[tilespmem:s18], [sflag:$0x3] =	stream.indirect.gather @!p3 [hbm4b:s1+s17], $0x80, s17, s17, $0xb8;
	[tilespmem:$0x1BA80] =	vst v63  }
0x42: {  	s17 =	simm.s32 @!p4 $0x0  }
0x43: {  	[tilespmem:s17], [sflag:$0x1] =	stream.linear.gather @!p4 [hbm4b:s16+s17], $0x80, $0x38;
	[tilespmem:$0x1BA80] =	vst v63  }
0x44: {  	s31 =	simm.s32 @!p2 $0x0;
	s18 =	smov.u32 s0;
	s17 =	smov.u32 s3  }
.LBB2_2:
0x45: {  	s19 =	sadd.s32 s31, s14  }
0x46: {  	_ =	swait.ge [sflag:s23], $0x4000;
	s22 =	sadd.s32 $0x1, s19  }
0x47: {  	[sflag:s23] =	ssyncset.done $0x0;
	p6 =	sle.u32 s22, s6  }
0x48: {  	[sflag:s23] =	ssyncadd.s32 $0xFFFFC000;
	s22 =	simm.s32 @!p6 $0x4  }
0x49: {  	_ =	swait.ge @!p6 [sflag:s22], $0x4000  }
0x4a: {  	s5 =	sxor.u32 $0xFFFFFFFF, s31;
	[sflag:s22] =	ssyncset.done @!p6 $0x0  }
0x4b: {  	s5 =	sand.u32 $0x1, s5;
	s10 =	sadd.s32 $0x2, s19;
	[sflag:s22] =	ssyncadd.s32 @!p6 $0xFFFFC000  }
0x4c: {  	s9 =	sshll.u32 s5, $0xE;
	s8 =	sshll.u32 s5, $0x7;
	_ =	swait.ge [sflag:s24], $0x80  }
0x4d: {  	s22 =	sor.u32 $0x200, s9;
	p6 =	sge.u32 s10, s7;
	[sflag:s24] =	ssyncset.done $0x0  }
0x4e: {  	s9 =	sor.u32 $0x100, s8;
	s5 =	sxor.u32 @!p6 $0x1, s5;
	[sflag:s24] =	ssyncadd.s32 $0xFFFFFF80  }
0x4f: {  	[spmem:s2] =	stream.indirect.scatter.add.f32 [tilespmem:s22], [sflag:$0x4], $0x80, s9, s21, $0xb8;
	[tilespmem:$0x1BA80] =	vst v63  }
0x50: {  	s9 =	sshll.u32 @!p6 s5, $0x7  }
0x51: {  	s10 =	simm.s32 @!p6 $0x0;
	s22 =	sor.u32 @!p6 $0x100, s9  }
0x52: {  	[tilespmem:s22], [sflag:$0x2] =	stream.linear.gather @!p6 [hbm4b:s18+s10], $0x80, $0x38;
	[tilespmem:$0x1BA80] =	vst v63  }
0x53: {  	s10 =	simm.s32 @!p6 $0x1  }
0x54: {  	_ =	swait.ge @!p6 [sflag:s10], $0x80  }
0x55: {  	s19 =	sadd.s32 $0x3, s19;
	s5 =	sshll.u32 @!p6 s5, $0xE;
	[sflag:s10] =	ssyncset.done @!p6 $0x0  }
0x56: {  	s5 =	sor.u32 @!p6 $0x200, s5;
	[sflag:s10] =	ssyncadd.s32 @!p6 $0xFFFFFF80;
	s10 =	simm.s32 @!p6 $0x80  }
0x57: {  	[tilespmem:s5], [sflag:$0x3] =	stream.indirect.gather @!p6 [hbm4b:s1+s10], $0x80, s9, s10, $0xb8;
	[tilespmem:$0x1BA80] =	vst v63  }
0x58: {  	s31 =	sadd.s32 $0x1, s31;
	p6 =	sge.u32 s19, s7  }
0x59: {  	s22 =	sadd.s32 s31, s14;
	s5 =	simm.s32 @!p6 $0x0  }
0x5a: {  	[tilespmem:s8], [sflag:$0x1] =	stream.linear.gather @!p6 [hbm4b:s17+s5], $0x80, $0x38;
	[tilespmem:$0x1BA80] =	vst v63  }
0x5b: {  	s5 =	sadd.s32 $0x1, s22  }
0x5c: {  	p6 =	slt.u32 s5, s7  }
.Ltmp3:
0x5d: {  	_ = 	snop;
	(pc) =	sbr.rel @p6 .LBB2_2-.Ltmp3, $2  }
0x5e: {  	_ =	sdelay $0x2  }
0x5f: {  	s18 =	sadd.s32 $0x10, s18;
	s17 =	sadd.s32 $0x10, s17  }
.Ltmp4:
0x60: {  	_ = 	snop;
	(pc) =	sbr.rel .LBB2_3-.Ltmp4, $1  }
0x61: {  	_ =	sdelay $0x3  }
.LBB2_4:
0x62: {  	_ =	sfence.sel $0x180000  }
0x63: {  	[bflag:$0x0] =	sbarrier.arrive $0xFFFF  }
0x64: {  	_ =	strace $0x9000004D  }
0x65: {  	s0 =	stileid.u32;
	[bflag:$0x2] =	sbarrier.arrive $0xFFFF  }
0x66: {  	p0 =	sne.s32 s0, $0x0;
	s0 =	rddreg [dreg:$0x4]  }
0x67: {  	s0 =	sadd.s32 @!p0 $0x100000, s0  }
0x68: {  	[sflag:s0] =	ssyncadd.tile.s32 @!p0 $0x1;
	_ =	shalt  }
.Lfunc_end2:
_tile_overlayer_lowered:
.L_overlay_start_2:
0x69: {  	(tag) =	ssettag $0x2  }
0x6a: {  	s0 =	rddreg [dreg:$0x0];
	s2 =	stileid.u32  }
0x6b: {  	s1 =	rddreg [dreg:$0x1];
	p0 =	sne.s32 s2, $0x0  }
0x6c: {  	s3 =	rddreg [dreg:$0x2];
	[bflag:$0x3] =	sbarrier.arrive $0xFFFF;
	s2 =	simm.s32 @!p0 $0x1C05  }
0x6d: {  	[timem:s3], [sflag:s2] =	dma.local @!p0 [hbm:s0], s1  }
0x6e: {  	s0 =	simm.s32 @!p0 $0x5  }
0x6f: {  	_ =	swait.ge @!p0 [sflag:s0], s1  }
0x70: {  	s1 =	ssub.s32 @!p0 $0x0, s1;
	[sflag:s0] =	ssyncset.done @!p0 $0x0  }
0x71: {  	[sflag:s0] =	ssyncadd.s32 @!p0 s1  }
0x72: {  	[bflag:$0x3] =	sbarrier.arrive $0xFFFF  }
0x73: {  	_ =	shalt  }

// kernel: kernel.8.cloned.1.call-start
scs
__scs_entry_jumppad:
0x0: {  	(pc) =	sbr.rel $0x88, $3  }
0x1: {  	(tag) =	ssettag $0x0;
	lr =	simm.s32 $0x1  }
0x2: {  	[smem:$0x3F95] =	sst lr;
	_ =	strace $0xD0000000  }
0x3: {  	_ = 	snop  }
0x4: {  	_ = 	snop  }
0x5: {  	_ = 	snop  }
0x6: {  	_ = 	snop  }
0x7: {  	_ = 	snop  }
__scs_overlays_trampoline_lowered:
0x8: {  	[smem:$0x3FA4] =	sst s0  }
0x9: {  	[smem:$0x3FA5] =	sst s1  }
0xa: {  	[smem:$0x3FA6] =	sst s2  }
0xb: {  	[smem:$0x3FA7] =	sst s3  }
0xc: {  	[smem:$0x3FA8] =	sst s4  }
0xd: {  	[smem:$0x3FA9] =	sst s5  }
0xe: {  	[smem:$0x3FAA] =	sst s6  }
0xf: {  	[smem:$0x3FAB] =	sst s7  }
0x10: {  	[smem:$0x3FAC] =	sst s8  }
0x11: {  	[smem:$0x3FAD] =	sst s9;
	s0 =	simm.s32 @!p0 $0x0  }
0x12: {  	s1 =	sld [smem:$0x3F93];
	s0 =	simm.s32 @p0 $0x1  }
0x13: {  	[smem:$0x3FAE] =	sst s0;
	s0 =	simm.s32 @!p1 $0x0  }
0x14: {  	s2 =	sld [smem:$0x3F92];
	s0 =	simm.s32 @p1 $0x1  }
0x15: {  	[smem:$0x3FAF] =	sst s0;
	s0 =	simm.s32 @!p2 $0x0  }
0x16: {  	s3 =	sld [smem:$0x3FDB];
	s0 =	simm.s32 @p2 $0x1  }
0x17: {  	s4 =	simm.s32 $0x1BF5;
	[smem:$0x3FB1] =	sst s0  }
0x18: {  	s0 =	sld [smem:$0x3F94];
	_ =	swait.ge [sflag:s4], $0x0  }
0x19: {  	s7 =	sld [smem:$0x3F95]  }
0x1a: {  	s8 =	sadd.s32 $0xFFFFE003, lr  }
0x1b: {  	s9 =	sadd.s32 $0xFFFFFEF7, lr;
	s5 =	simm.s32 $0xFFFFFFFF;
	p2 =	slt.u32 s8, $0xFFFFF086  }
0x1c: {  	p1 =	slt.u32 s9, $0xF7A;
	s5 =	simm.s32 @!p2 $0x0  }
0x1d: {  	s5 =	simm.s32 @p1 $0x1;
	p0 =	seq.s32 s7, s2  }
0x1e: {  	s7 =	smul.u32 @!p0 $0xF7A, s2;
	p2 =	seq.s32 @!p0 s5, $0x0  }
0x1f: {  	s9 =	smul.u32 $0xF7A, s1;
	s8 =	simm.s32 @!p0 $0x1BF5;
	p2 =	por !p2, p0  }
0x20: {  	[sflag:s8] =	ssyncset.s32 @!p0 $0xFFFFF086;
	s6 =	sadd.s32 @!p0 s3, s7;
	s7 =	simm.s32 @!p0 $0x108  }
0x21: {  	s3 =	sadd.s32 s3, s9;
	s6 =	sadd.s32 @!p0 $0x88, s6;
	s7 =	simm.s32 @p2 $0x1082  }
0x22: {  	[simem:s7], [sflag:s8] =	dma.local @!p0 [hbm:s6], $0xF7A  }
0x23: {  	s9 =	sor.u32 $0xD0000000, s2;
	s6 =	simm.s32 $0x108;
	_ =	swait.ge @!p0 [sflag:s8], $0x0  }
0x24: {  	s3 =	sadd.s32 $0x88, s3;
	s6 =	simm.s32 @!p1 $0x1082;
	[sflag:s4] =	ssyncset.s32 $0xFFFFF086  }
0x25: {  	[simem:s6], [sflag:s4] =	dma.local [hbm:s3], $0xF7A  }
0x26: {  	[smem:$0x3F95] =	sst s1;
	(tag) =	ssettag s2;
	_ =	strace s9  }
0x27: {  	s1 =	sld [smem:$0x3FA5]  }
0x28: {  	s2 =	sld [smem:$0x3FA6]  }
0x29: {  	s4 =	sld [smem:$0x3FA8]  }
0x2a: {  	p0 =	seq.s32 s5, $0x0;
	s5 =	sld [smem:$0x3FA9]  }
0x2b: {  	s6 =	sld [smem:$0x3FAA]  }
0x2c: {  	s7 =	sld [smem:$0x3FAB]  }
0x2d: {  	s3 =	simm.s32 $0x108;
	s8 =	sld [smem:$0x3FAC]  }
0x2e: {  	s3 =	simm.s32 @!p0 $0x1082;
	s9 =	sld [smem:$0x3FAD]  }
0x2f: {  	lr =	sadd.s32 s0, s3;
	s0 =	sld [smem:$0x3FA4]  }
0x30: {  	s3 =	sld [smem:$0x3FA7]  }
0x31: {  	[smem:$0x3FB0] =	sst s10  }
0x32: {  	s10 =	sld [smem:$0x3FAE];
	_ =	sdelay $0x3  }
0x33: {  	p0 =	seq.s32 s10, $0x1;
	s10 =	sld [smem:$0x3FB0];
	_ =	sdelay $0x3  }
0x34: {  	[smem:$0x3FB0] =	sst s10  }
0x35: {  	s10 =	sld [smem:$0x3FAF];
	_ =	sdelay $0x3  }
0x36: {  	p1 =	seq.s32 s10, $0x1;
	s10 =	sld [smem:$0x3FB0];
	_ =	sdelay $0x3  }
0x37: {  	[smem:$0x3FB0] =	sst s10  }
0x38: {  	s10 =	sld [smem:$0x3FB1]  }
0x39: {  	_ = 	snop;
	(pc) =	sbr.ind lr, $3  }
0x3a: {  	_ = 	snop  }
0x3b: {  	_ = 	snop  }
0x3c: {  	p2 =	seq.s32 s10, $0x1;
	s10 =	sld [smem:$0x3FB0]  }
0x3d: {  	_ =	shalt  }
0x3e: {  	_ =	shalt  }
0x3f: {  	_ =	shalt  }
0x40: {  	_ =	shalt  }
0x41: {  	_ =	shalt  }
0x42: {  	_ =	shalt  }
0x43: {  	_ =	shalt  }
0x44: {  	_ =	shalt  }
0x45: {  	_ =	shalt  }
0x46: {  	_ =	shalt  }
0x47: {  	_ =	shalt  }
0x48: {  	_ =	shalt  }
0x49: {  	_ =	shalt  }
0x4a: {  	_ =	shalt  }
0x4b: {  	_ =	shalt  }
0x4c: {  	_ =	shalt  }
0x4d: {  	_ =	shalt  }
0x4e: {  	_ =	shalt  }
0x4f: {  	_ =	shalt  }
0x50: {  	_ =	shalt  }
0x51: {  	_ =	shalt  }
0x52: {  	_ =	shalt  }
0x53: {  	_ =	shalt  }
0x54: {  	_ =	shalt  }
0x55: {  	_ =	shalt  }
0x56: {  	_ =	shalt  }
0x57: {  	_ =	shalt  }
0x58: {  	_ =	shalt  }
0x59: {  	_ =	shalt  }
0x5a: {  	_ =	shalt  }
0x5b: {  	_ =	shalt  }
0x5c: {  	_ =	shalt  }
0x5d: {  	_ =	shalt  }
0x5e: {  	_ =	shalt  }
0x5f: {  	_ =	shalt  }
0x60: {  	_ =	shalt  }
0x61: {  	_ =	shalt  }
0x62: {  	_ =	shalt  }
0x63: {  	_ =	shalt  }
0x64: {  	_ =	shalt  }
0x65: {  	_ =	shalt  }
0x66: {  	_ =	shalt  }
0x67: {  	_ =	shalt  }
0x68: {  	_ =	shalt  }
0x69: {  	_ =	shalt  }
0x6a: {  	_ =	shalt  }
0x6b: {  	_ =	shalt  }
0x6c: {  	_ =	shalt  }
0x6d: {  	_ =	shalt  }
0x6e: {  	_ =	shalt  }
0x6f: {  	_ =	shalt  }
0x70: {  	_ =	shalt  }
0x71: {  	_ =	shalt  }
0x72: {  	_ =	shalt  }
0x73: {  	_ =	shalt  }
0x74: {  	_ =	shalt  }
0x75: {  	_ =	shalt  }
0x76: {  	_ =	shalt  }
0x77: {  	_ =	shalt  }
0x78: {  	_ =	shalt  }
0x79: {  	_ =	shalt  }
0x7a: {  	_ =	shalt  }
0x7b: {  	_ =	shalt  }
0x7c: {  	_ =	shalt  }
0x7d: {  	_ =	shalt  }
0x7e: {  	_ =	shalt  }
0x7f: {  	_ =	shalt  }
0x80: {  	_ =	shalt  }
0x81: {  	_ =	shalt  }
0x82: {  	_ =	shalt  }
0x83: {  	_ =	shalt  }
0x84: {  	_ =	shalt  }
0x85: {  	_ =	shalt  }
0x86: {  	_ =	shalt  }
0x87: {  	_ =	shalt  }
.Lfunc_end0:
.L_simem_size_0:
called_computation_lowered:
.L_overlay_start_0:
0x88: {  	s2 =	sld [smem:$0x3FD9]  }
0x89: {  	s3 =	sld [smem:$0x3FFE];
	_ =	sdelay $0x1  }
0x8a: {  	s1 =	srdreg.scid  }
0x8b: {  	s0 =	sand.u32 $0x1, s1  }
0x8c: {  	s14 =	sshll.u32 s0, $0xA;
	s2 =	sadd.s32 s3, s2  }
0x8d: {  	s2 =	sadd.s32 s2, s14  }
0x8e: {  	[smem:$0x3FBC] =	sst s2  }
0x8f: {  	_ = 	snop  }
0x90: {  	s2 =	sld [smem:$0x3FD0];
	_ =	sdelay $0x2  }
0x91: {  	s15 =	simm.s32 $0xA;
	s4 =	simm.s32 $0x10  }
0x92: {  	[smem:s4], [sflag:s15] =	dma.local [hbm:s2], $0x1  }
0x93: {  	_ =	swait.eq [sflag:s15], $0x1  }
0x94: {  	[sflag:s15] =	ssyncset.done $0x0  }
0x95: {  	[sflag:s15] =	ssyncadd.s32 $0xFFFFFFFF  }
0x96: {  	s16 =	sld [smem:$0x11];
	(tm) =	ssettm $0x1  }
0x97: {  	s17 =	sld [smem:$0x3FFB];
	_ =	sdelay $0x3  }
0x98: {  	_ =	strace s17  }
0x99: {  	s3 =	sld [smem:$0x3FFC];
	_ =	sdelay $0x3  }
0x9a: {  	_ =	strace s3  }
0x9b: {  	s3 =	sld [smem:$0x3FFD];
	_ =	sdelay $0x3  }
0x9c: {  	_ =	strace s3  }
0x9d: {  	_ =	strace $0x8FFFFFFF  }
0x9e: {  	s18 =	sld [smem:$0x3FDB];
	_ =	sdelay $0x1  }
0x9f: {  	s19 =	simm.s32 $_scs_section_size  }
0xa0: {  	s5 =	simm.s32 $_size__tile_overlayer_lowered;
	s6 =	simm.s32 $_tile_overlayer_lowered  }
0xa1: {  	s22 =	simm.s32 $0x1BFF;
	s21 =	sshll.u32 s6, $0x1;
	s3 =	sadd.s32 s19, s18  }
0xa2: {  	s7 =	simm.s32 $0x0;
	s20 =	sshll.u32 s5, $0x1;
	s5 =	sadd.s32 s21, s3  }
0xa3: {  	[timem:s7], [sflag:s22] =	dma.local [hbm:s5], s20  }
0xa4: {  	_ =	swait.ge [sflag:s22], s20  }
0xa5: {  	s4 =	ssub.s32 $0x0, s20;
	[sflag:s22] =	ssyncset.done $0x0  }
0xa6: {  	[sflag:s22] =	ssyncadd.s32 s4;
	_ =	sdelay $0x1  }
0xa7: {  	s23 =	simm.s32 $0x1B8B  }
0xa8: {  	_ =	swait.ge [sflag:s23], $0x1  }
0xa9: {  	[sflag:s23] =	ssyncset.done $0x0  }
0xaa: {  	s25 =	simm.s32 $0x1B8E;
	s24 =	sld [smem:$0x3FFE];
	[sflag:s23] =	ssyncadd.s32 $0xFFFFFFFF  }
0xab: {  	s26 =	simm.s32 $execute0_lowered;
	[smem:$0x3FD2] =	sst s25  }
0xac: {  	s5 =	sshll.u32 s26, $0x1;
	_ =	strace $0x80000046;
	[dreg:$0x1] =	wrdreg $0xFFFFFFFF  }
0xad: {  	s28 =	simm.s32 $_size_execute0_lowered;
	s3 =	sadd.s32 s3, s5;
	[dreg:$0x0] =	wrdreg $0x0  }
0xae: {  	s5 =	sshll.u32 s28, $0x1;
	[dreg:$0x2] =	wrdreg s3  }
0xaf: {  	[dreg:$0x3] =	wrdreg s5  }
0xb0: {  	[dreg:$0x4] =	wrdreg $0xC0  }
0xb1: {  	_ =	task [dreg:s7], $0x5FFFF  }
0xb2: {  	[dreg:$0x1] =	wrdreg $0xFFFFFFFF  }
0xb3: {  	[dreg:$0x0] =	wrdreg $0x60  }
0xb4: {  	[dreg:$0x2] =	wrdreg s24  }
0xb5: {  	[dreg:$0x3] =	wrdreg s16  }
0xb6: {  	[dreg:$0x4] =	wrdreg $0x28800  }
0xb7: {  	[dreg:$0x5] =	wrdreg $0x9  }
0xb8: {  	_ =	task.clear_ibuf [dreg:s7], $0x6FFFF;
	_ =	strace $0x90000046  }
0xb9: {  	s29 =	simm.s32 $0x9;
	_ =	strace $0x80000048  }
0xba: {  	_ =	swait.ge [sflag:s29], $0x1  }
0xbb: {  	[sflag:s29] =	ssyncadd.s32 $0xFFFFFFFF  }
0xbc: {  	_ =	strace $0x90000048  }
0xbd: {  	_ =	sfence  }
0xbe: {  	s30 =	sld [smem:$0x0];
	_ =	sdelay $0x2  }
0xbf: {  	s31 =	sshll.u32 s1, $0xD;
	s1 =	sshrl.u32 s1, $0x2  }
0xc0: {  	s3 =	sand.u32 $0x4000, s31;
	s1 =	sadd.s32 s1, s30  }
0xc1: {  	s0 =	sor.u32 s3, s0;
	s1 =	sshll.u32 s1, $0x11  }
0xc2: {  	s0 =	sor.u32 s1, s0  }
0xc3: {  	s0 =	sadd.s32 $0x8F2B, s0  }
0xc4: {  	[sflag:s0] =	ssyncadd.remote.s32 $0x1  }
0xc5: {  	_ =	sfence.sel $0xFFFF  }
0xc6: {  	[dreg:$0x0] =	wrdreg $0xFFFFFFFF;
	(pc) =	sbr.abs _section_cstart, $3  }
0xc7: {  	[dreg:$0x1] =	wrdreg $0xFFFFFFFF  }
0xc8: {  	_ =	task.clear_ibuf [dreg:s7], $0x2FFFF;
	_ =	strace $0x9FFFFFFF  }
0xc9: {  	(tm) =	ssettm $0x7FFFFFFF  }
tec
execute0_lowered:
.L_overlay_start_1:
0x0: {  	(tag) =	ssettag $0x1  }
0x1: {  	s6 =	rddreg [dreg:$0x0]  }
0x2: {  	s2 =	rddreg [dreg:$0x1]  }
0x3: {  	s0 =	srdreg.scid;
	s3 =	rddreg [dreg:$0x2]  }
0x4: {  	s1 =	rddreg [dreg:$0x3];
	s5 =	sand.u32 $0x1, s0  }
0x5: {  	s0 =	stileid.u32;
	s7 =	smul.u32 $0x27100, s5  }
0x6: {  	s4 =	simm.s32 $0x0;
	s12 =	simm.s32 $0x1;
	s8 =	smul.u32 $0x2710, s0  }
0x7: {  	s13 =	simm.s32 $0x50;
	[smem:$0x7FF] =	sst s4;
	s25 =	smul.u32 $0x138800, s5  }
0x8: {  	s14 =	simm.s32 $0x0;
	s9 =	smul.u32 $0x1F400, s0;
	_ =	strace $0x80000047  }
0x9: {  	s28 =	ssub.s32 $0x2, s5;
	s29 =	smul.u32 $0x7D000, s0;
	s5 =	sadd.s32 $0xD600, s6  }
0xa: {  	p0 =	sgt.u32 s0, $0x9;
	s11 =	sshrl.u32 s28, $0x1;
	s7 =	sadd.s32 s8, s7  }
0xb: {  	s26 =	sadd.s32 s9, s25;
	s30 =	ssub.s32 s28, s11;
	s31 =	sshrl.u32 s29, $0x2  }
0xc: {  	s9 =	sshll.u32 @!p0 s0, $0x6;
	s7 =	sshrl.u32 s7, $0x3;
	s11 =	sadd.s32 s31, s3  }
0xd: {  	s9 =	sor.u32 @!p0 $0x1C01, s9;
	s10 =	sadd.s32 s7, s6;
	s7 =	sshrl.u32 s26, $0x3  }
0xe: {  	s6 =	sadd.s32 s7, s6;
	s7 =	smax.u32 s30, $0x1;
	s8 =	sadd.s32 $0x3800, s10  }
0xf: {  	s10 =	sshrl.u32 @!p0 s11, $0x3;
	s11 =	simm.s32 $0x80;
	s6 =	sadd.s32 $0x11600, s6  }
.LBB2_1:
0x10: {  	[spmem:s10], [sflag:s9] =	dma.local @!p0 [hbm:s5], $0x3E80  }
0x11: {  	s15 =	simm.s32 @!p0 $0x1  }
0x12: {  	_ =	swait.ge @!p0 [sflag:s15], $0x3E80  }
0x13: {  	[sflag:s15] =	ssyncset.done @!p0 $0x0  }
0x14: {  	[sflag:s15] =	ssyncadd.s32 @!p0 $0xFFFFC180  }
0x15: {  	[tilespmem:s11], [sflag:$0x1] =	stream.linear.gather [hbm4b:s2+s4], $0x2800, $0x38;
	[tilespmem:$0x16100] =	vst v63  }
0x16: {  	_ =	swait.ge [sflag:s12], $0x2800  }
0x17: {  	[sflag:s12] =	ssyncset.done $0x0  }
0x18: {  	[sflag:s12] =	ssyncadd.s32 $0xFFFFD800  }
0x19: {  	s31 =	sadd.s32 $0x0, s8;
	[bflag:$0x0] =	sbarrier.arrive $0xFFFF  }
0x1a: {  	[tilespmem:s4], [sflag:$0x1] =	stream.linear.gather [hbm4b:s31+s4], $0x50, $0x38;
	[tilespmem:$0x16100] =	vst v63  }
0x1b: {  	_ =	swait.ge [sflag:s12], $0x50  }
0x1c: {  	[sflag:s12] =	ssyncset.done $0x0  }
0x1d: {  	[sflag:s12] =	ssyncadd.s32 $0xFFFFFFB0  }
0x1e: {  	[spmem:s3] =	stream.indirect.scatter.add.f32 [tilespmem:s11], [sflag:$0x1], $0x80, s4, s13, $0xb8;
	[tilespmem:$0x16100] =	vst v63  }
0x1f: {  	_ =	swait.ge [sflag:s12], $0x2800  }
0x20: {  	s16 =	simm.s32 $0x14;
	s15 =	simm.s32 $0xA;
	[sflag:s12] =	ssyncset.done $0x0  }
.LBB2_2:
0x21: {  	s17 =	sadd.s32 s15, s8  }
0x22: {  	[sflag:s12] =	ssyncadd.s32 $0xFFFFD800;
	s15 =	smov.u32 s16;
	s18 =	sadd.s32 $0xA, s16  }
0x23: {  	[tilespmem:s4], [sflag:$0x1] =	stream.linear.gather [hbm4b:s17+s4], $0x50, $0x38;
	[tilespmem:$0x16100] =	vst v63  }
0x24: {  	p1 =	sne.s32 s16, $0x4D8;
	_ =	swait.ge [sflag:s12], $0x50  }
.Ltmp0:
0x25: {  	[sflag:s12] =	ssyncset.done $0x0;
	(pc) =	sbr.rel @p1 .LBB2_2-.Ltmp0, $4  }
0x26: {  	[sflag:s12] =	ssyncadd.s32 $0xFFFFFFB0  }
0x27: {  	[spmem:s3] =	stream.indirect.scatter.add.f32 [tilespmem:s11], [sflag:$0x1], $0x80, s4, s13, $0xb8;
	[tilespmem:$0x16100] =	vst v63  }
0x28: {  	_ =	swait.ge [sflag:s12], $0x2800  }
0x29: {  	s16 =	smov.u32 s18;
	[sflag:s12] =	ssyncset.done $0x0  }
0x2a: {  	s15 =	sadd.s32 s15, s8;
	[sflag:s12] =	ssyncadd.s32 $0xFFFFD800  }
0x2b: {  	[tilespmem:s4], [sflag:$0x1] =	stream.linear.gather [hbm4b:s15+s4], $0x50, $0x38;
	[tilespmem:$0x16100] =	vst v63  }
0x2c: {  	_ =	swait.ge [sflag:s12], $0x50  }
0x2d: {  	[sflag:s12] =	ssyncset.done $0x0  }
0x2e: {  	[sflag:s12] =	ssyncadd.s32 $0xFFFFFFB0  }
0x2f: {  	[spmem:s3] =	stream.indirect.scatter.add.f32 [tilespmem:s11], [sflag:$0x1], $0x80, s4, s13, $0xb8;
	[tilespmem:$0x16100] =	vst v63  }
0x30: {  	_ =	swait.ge [sflag:s12], $0x2800  }
0x31: {  	s14 =	sadd.s32 $0x1, s14;
	[sflag:s12] =	ssyncset.done $0x0  }
0x32: {  	p1 =	sne.s32 s14, s7;
	[sflag:s12] =	ssyncadd.s32 $0xFFFFD800  }
.Ltmp1:
0x33: {  	s15 =	simm.s32 @!p0 $0x1;
	[bflag:$0x0] =	sbarrier.arrive $0xFFFF;
	(pc) =	sbr.rel @p1 .LBB2_1-.Ltmp1, $4  }
0x34: {  	[hbm:s6], [sflag:s9] =	dma.local @!p0 [spmem:s10], $0x3E80  }
0x35: {  	_ =	swait.ge @!p0 [sflag:s15], $0x3E80  }
0x36: {  	[sflag:s15] =	ssyncset.done @!p0 $0x0  }
0x37: {  	[sflag:s15] =	ssyncadd.s32 @!p0 $0xFFFFC180  }
0x38: {  	_ =	sfence.sel $0x180000  }
0x39: {  	[bflag:$0x0] =	sbarrier.arrive $0xFFFF  }
0x3a: {  	p0 =	sne.s32 s0, $0x0;
	_ =	strace $0x90000047  }
0x3b: {  	s0 =	sadd.s32 @!p0 $0x100000, s1;
	[bflag:$0x2] =	sbarrier.arrive $0xFFFF  }
0x3c: {  	[sflag:s0] =	ssyncadd.tile.s32 @!p0 $0x1;
	_ =	shalt  }
.Lfunc_end2:
_tile_overlayer_lowered:
.L_overlay_start_2:
0x3d: {  	(tag) =	ssettag $0x2  }
0x3e: {  	s0 =	rddreg [dreg:$0x0];
	s2 =	stileid.u32  }
0x3f: {  	s1 =	rddreg [dreg:$0x1];
	p0 =	sne.s32 s2, $0x0  }
0x40: {  	s3 =	rddreg [dreg:$0x2];
	[bflag:$0x3] =	sbarrier.arrive $0xFFFF;
	s2 =	simm.s32 @!p0 $0x1C01  }
0x41: {  	[timem:s3], [sflag:s2] =	dma.local @!p0 [hbm:s0], s1  }
0x42: {  	s0 =	simm.s32 @!p0 $0x1  }
0x43: {  	_ =	swait.ge @!p0 [sflag:s0], s1  }
0x44: {  	s1 =	ssub.s32 @!p0 $0x0, s1;
	[sflag:s0] =	ssyncset.done @!p0 $0x0  }
0x45: {  	[sflag:s0] =	ssyncadd.s32 @!p0 s1  }
0x46: {  	[bflag:$0x3] =	sbarrier.arrive $0xFFFF  }
0x47: {  	_ =	shalt  }

</sc_bundles>
